<compile_context>
chip_gen: v7x
topology: tpu7x:2x2x1
jax: 0.10.2.dev20260603
libtpu: 0.0.44.dev20260713+nightly
codegen_flags: <defaults>
</compile_context>

<pallas_src>
import jax
import jax.numpy as jnp
from jax import lax
from jax.experimental import pallas as pl
from jax.experimental.pallas import tpu as pltpu
from jax.experimental.pallas import tpu_sc as plsc

NUM_GROUP = 100000
EMBED_DIM = 64
BATCH = 16384
HIST = 50

_INFO = plsc.get_sparse_core_info()
NC = _INFO.num_cores
NS = _INFO.num_subcores
NW = NC * NS

B = BATCH * HIST
CHUNK = 128
N_CHUNK_TOT = B // CHUNK
N_CHUNK = N_CHUNK_TOT // NW
BT_PER_H = BATCH // CHUNK
NBUF = 4
DT = EMBED_DIM // 8


def _body(idx_hbm, table_hbm, out_hbm, junk_hbm, idx_v, rows_v, tile_v, gsem, ssem):
    c = lax.axis_index("c")
    s = lax.axis_index("s")
    wid = s * NC + c
    cbase = wid * N_CHUNK

    pltpu.sync_copy(idx_hbm.at[wid], idx_v)

    lane = lax.iota(jnp.int32, 16)

    for b in range(NBUF):
        pltpu.async_copy(table_hbm.at[idx_v.at[b]], rows_v.at[b], gsem)
        pltpu.async_copy(tile_v.at[b], junk_hbm, ssem)

    def step(i, carry):
        buf = lax.rem(i, NBUF)
        pltpu.make_async_copy(
            table_hbm.at[idx_v.at[i]], rows_v.at[buf], gsem
        ).wait()

        pltpu.make_async_copy(tile_v.at[0], junk_hbm, ssem).wait()

        @plsc.parallel_loop(0, (CHUNK // 16) * EMBED_DIM, unroll=8)
        def _(j):
            bsg = j // EMBED_DIM
            d = j % EMBED_DIM
            rows16 = bsg * 16 + lane
            cols16 = jnp.broadcast_to(d, (16,))
            v = plsc.load_gather(rows_v.at[buf], [rows16, cols16])
            tile_v.at[buf][d // 8, pl.ds((d % 8) * 128 + bsg * 16, 16)] = v

        chunk = cbase + i
        h = chunk // BT_PER_H
        bt = chunk % BT_PER_H
        pltpu.async_copy(tile_v.at[buf], out_hbm.at[h, :, bt], ssem)

        nxt = jnp.minimum(i + NBUF, N_CHUNK - 1)
        pltpu.async_copy(table_hbm.at[idx_v.at[nxt]], rows_v.at[buf], gsem)

        return carry

    lax.fori_loop(0, N_CHUNK, step, 0)

    for b in range(NBUF):
        pltpu.make_async_copy(
            table_hbm.at[idx_v.at[0]], rows_v.at[b], gsem
        ).wait()
        pltpu.make_async_copy(tile_v.at[0], junk_hbm, ssem).wait()


@jax.jit
def _lookup(idx, table):
    kern = pl.kernel(
        _body,
        out_type=(
            jax.ShapeDtypeStruct((HIST, DT, BT_PER_H, 1024), jnp.float32),
            jax.ShapeDtypeStruct((DT, 1024), jnp.float32),
        ),
        mesh=plsc.VectorSubcoreMesh(core_axis_name="c", subcore_axis_name="s"),
        scratch_types=[
            pltpu.VMEM((N_CHUNK, CHUNK), jnp.int32),
            pltpu.VMEM((NBUF, CHUNK, EMBED_DIM), jnp.float32),
            pltpu.VMEM((NBUF, DT, 1024), jnp.float32),
            pltpu.SemaphoreType.DMA,
            pltpu.SemaphoreType.DMA,
        ],
        compiler_params=pltpu.CompilerParams(
            use_tc_tiling_on_sc=False, needs_layout_passes=False
        ),
    )
    out4, _ = kern(idx, table)
    return out4


def kernel(num_group, table):
    idx = num_group.astype(jnp.int32).T.reshape(NW, N_CHUNK, CHUNK)
    out4 = _lookup(idx, table)
    out5 = out4.reshape(HIST, DT, BT_PER_H, 8, 128)
    return out5.transpose(2, 4, 0, 1, 3).reshape(BATCH, HIST, EMBED_DIM)

# --- scband reference (transcript-rebuilt; emitter-appended) ---
"""Pipeline reference for scband-group-embedding-layer-22342419874475 (READ-ONLY COPY).

The authoritative reference and input builder live on the scoring server;
editing this copy changes nothing except your own understanding.
"""

import jax, jax.numpy as jnp
import numpy as np

NUM_GROUP = 100000
EMBED_DIM = 64
BATCH = 16384
HIST = 50

def setup_inputs(seed: int = 0) -> dict:
    key = jax.random.key(seed)
    k_idx, k_tab = jax.random.split(key)
    num_group = jax.random.randint(k_idx, (BATCH, HIST), 0, NUM_GROUP, dtype=jnp.int64 if jax.config.jax_enable_x64 else jnp.int32)
    table = jax.random.normal(k_tab, (NUM_GROUP, EMBED_DIM), dtype=jnp.float32)
    return {"num_group": num_group, "table": table}

def reference(num_group, table):
    # nn.Embedding forward: gather rows of the table by index
    group_embeds = jnp.take(table, num_group, axis=0)
    return group_embeds

if __name__ == "__main__":
    import jax
    _d = setup_inputs()
    print(jax.jit(kernel)(*tuple(_d.values())))

</pallas_src>

<mosaic_0001>
#map = affine_map<(d0, d1) -> (0, 0, 0)>
#map1 = affine_map<(d0, d1) -> (0, 0)>
#map2 = affine_map<(d0, d1) -> (0, 0, 0, 0)>
module attributes {stable_mosaic.version = 14 : i64} {
  func.func @_body(%arg0: i32, %arg1: i32, %arg2: memref<32x200x128xi32, #tpu.memory_space<hbm>>, %arg3: memref<100000x64xf32, #tpu.memory_space<hbm>>, %arg4: memref<50x8x128x1024xf32, #tpu.memory_space<hbm>>, %arg5: memref<8x1024xf32, #tpu.memory_space<hbm>>, %arg6: memref<200x128xi32, #tpu.memory_space<vmem>>, %arg7: memref<4x128x64xf32, #tpu.memory_space<vmem>>, %arg8: memref<4x8x1024xf32, #tpu.memory_space<vmem>>, %arg9: memref<!tpu.dma_semaphore, #tpu.memory_space<semaphore_mem>>, %arg10: memref<!tpu.dma_semaphore, #tpu.memory_space<semaphore_mem>>) attributes {dimension_semantics = [#tpu.dimension_semantics<core_parallel>, #tpu.dimension_semantics<subcore_parallel>], iteration_bounds = array<i64: 2, 16>, scalar_prefetch = 0 : i64, scratch_operands = 5 : i64, tpu.core_type = #tpu.core_type<sc_vector_subcore>, window_params = [{transform_indices = #map}, {transform_indices = #map1}, {transform_indices = #map2}, {transform_indices = #map1}]} {
    %mul3A = arith.constant 2 : i32
    %mul3A_0 = arith.muli %arg1, %mul3A : i32
    %add3A = arith.addi %mul3A_0, %arg0 : i32
    %mul3A_1 = arith.constant 200 : i32
    %mul3A_2 = arith.muli %add3A, %mul3A_1 : i32
    "tpu.region"() ({
      %run_scoped3A = tpu.sem_alloc : memref<!tpu.dma_semaphore, #tpu.memory_space<semaphore_mem>>
      %dma_start3A_174 = arith.constant 0 : i32
      %dma_start3A_175 = arith.constant 0 : i32
      %dma_start3A_176 = tpu.memref_slice %arg2[%add3A, %dma_start3A_174, %dma_start3A_175] : memref<32x200x128xi32, #tpu.memory_space<hbm>> -> memref<1x200x128xi32, #tpu.memory_space<hbm>>
      %dma_start3A_177 = tpu.memref_squeeze %dma_start3A_176 : memref<1x200x128xi32, #tpu.memory_space<hbm>> -> memref<200x128xi32, #tpu.memory_space<hbm>>
      %dma_start3A_178 = arith.constant 0 : i32
      %dma_start3A_179 = arith.constant 0 : i32
      %dma_start3A_180 = tpu.memref_slice %arg2[%add3A, %dma_start3A_178, %dma_start3A_179] : memref<32x200x128xi32, #tpu.memory_space<hbm>> -> memref<1x200x128xi32, #tpu.memory_space<hbm>>
      %dma_start3A_181 = tpu.memref_squeeze %dma_start3A_180 : memref<1x200x128xi32, #tpu.memory_space<hbm>> -> memref<200x128xi32, #tpu.memory_space<hbm>>
      tpu.enqueue_dma source(%dma_start3A_181 : memref<200x128xi32, #tpu.memory_space<hbm>>) target(%arg6 : memref<200x128xi32, #tpu.memory_space<vmem>>) target_semaphore(%run_scoped3A : memref<!tpu.dma_semaphore, #tpu.memory_space<semaphore_mem>>)
      %dma_wait3A_182 = arith.constant 0 : i32
      %dma_wait3A_183 = arith.constant 0 : i32
      %dma_wait3A_184 = tpu.memref_slice %arg2[%add3A, %dma_wait3A_182, %dma_wait3A_183] : memref<32x200x128xi32, #tpu.memory_space<hbm>> -> memref<1x200x128xi32, #tpu.memory_space<hbm>>
      %dma_wait3A_185 = tpu.memref_squeeze %dma_wait3A_184 : memref<1x200x128xi32, #tpu.memory_space<hbm>> -> memref<200x128xi32, #tpu.memory_space<hbm>>
      %dma_wait3A_186 = arith.constant 0 : i32
      %dma_wait3A_187 = arith.constant 0 : i32
      %dma_wait3A_188 = tpu.memref_slice %arg2[%add3A, %dma_wait3A_186, %dma_wait3A_187] : memref<32x200x128xi32, #tpu.memory_space<hbm>> -> memref<1x200x128xi32, #tpu.memory_space<hbm>>
      %dma_wait3A_189 = tpu.memref_squeeze %dma_wait3A_188 : memref<1x200x128xi32, #tpu.memory_space<hbm>> -> memref<200x128xi32, #tpu.memory_space<hbm>>
      tpu.wait_dma2 semaphore(%run_scoped3A : memref<!tpu.dma_semaphore, #tpu.memory_space<semaphore_mem>>) src(%dma_wait3A_189 : memref<200x128xi32, #tpu.memory_space<hbm>>) dst(%arg6 : memref<200x128xi32, #tpu.memory_space<vmem>>)
      tpu.yield
    }) : () -> ()
    %iota3A = tpu.iota {dimensions = array<i32: 0>} : vector<16xi32>
    %dma_start3A = arith.constant 0 : i32
    %dma_start3A_3 = arith.constant 0 : i32
    %dma_start3A_4 = arith.constant 0 : i32
    %dma_start3A_5 = arith.constant 0 : i32
    %dma_start3A_6 = tpu.memref_slice %arg7[%dma_start3A_3, %dma_start3A_4, %dma_start3A_5] : memref<4x128x64xf32, #tpu.memory_space<vmem>> -> memref<1x128x64xf32, #tpu.memory_space<vmem>>
    %dma_start3A_7 = tpu.memref_squeeze %dma_start3A_6 : memref<1x128x64xf32, #tpu.memory_space<vmem>> -> memref<128x64xf32, #tpu.memory_space<vmem>>
    %dma_start3A_8 = arith.constant 0 : i32
    %dma_start3A_9 = tpu.memref_slice %arg6[%dma_start3A, %dma_start3A_8] : memref<200x128xi32, #tpu.memory_space<vmem>> -> memref<1x128xi32, #tpu.memory_space<vmem>>
    %dma_start3A_10 = tpu.memref_squeeze %dma_start3A_9 : memref<1x128xi32, #tpu.memory_space<vmem>> -> memref<128xi32, #tpu.memory_space<vmem>>
    %dma_start3A_11 = arith.constant 0 : i32
    %dma_start3A_12 = arith.constant 0 : i32
    %dma_start3A_13 = tpu.memref_slice %arg3[%dma_start3A_11, %dma_start3A_12] : memref<100000x64xf32, #tpu.memory_space<hbm>> -> memref<100000x64xf32, #tpu.memory_space<hbm>>
    tpu.enqueue_indirect_dma source(%dma_start3A_13 : memref<100000x64xf32, #tpu.memory_space<hbm>>) target(%dma_start3A_7 : memref<128x64xf32, #tpu.memory_space<vmem>>) offsets(%dma_start3A_10 : memref<128xi32, #tpu.memory_space<vmem>>) semaphore(%arg9 : memref<!tpu.dma_semaphore, #tpu.memory_space<semaphore_mem>>)
    %dma_start3A_14 = arith.constant 0 : i32
    %dma_start3A_15 = arith.constant 0 : i32
    %dma_start3A_16 = arith.constant 0 : i32
    %dma_start3A_17 = tpu.memref_slice %arg8[%dma_start3A_14, %dma_start3A_15, %dma_start3A_16] : memref<4x8x1024xf32, #tpu.memory_space<vmem>> -> memref<1x8x1024xf32, #tpu.memory_space<vmem>>
    %dma_start3A_18 = tpu.memref_squeeze %dma_start3A_17 : memref<1x8x1024xf32, #tpu.memory_space<vmem>> -> memref<8x1024xf32, #tpu.memory_space<vmem>>
    %dma_start3A_19 = arith.constant 0 : i32
    %dma_start3A_20 = arith.constant 0 : i32
    %dma_start3A_21 = tpu.memref_slice %arg8[%dma_start3A_14, %dma_start3A_19, %dma_start3A_20] : memref<4x8x1024xf32, #tpu.memory_space<vmem>> -> memref<1x8x1024xf32, #tpu.memory_space<vmem>>
    %dma_start3A_22 = tpu.memref_squeeze %dma_start3A_21 : memref<1x8x1024xf32, #tpu.memory_space<vmem>> -> memref<8x1024xf32, #tpu.memory_space<vmem>>
    tpu.enqueue_dma source(%dma_start3A_22 : memref<8x1024xf32, #tpu.memory_space<vmem>>) target(%arg5 : memref<8x1024xf32, #tpu.memory_space<hbm>>) target_semaphore(%arg10 : memref<!tpu.dma_semaphore, #tpu.memory_space<semaphore_mem>>)
    %dma_start3A_23 = arith.constant 1 : i32
    %dma_start3A_24 = arith.constant 1 : i32
    %dma_start3A_25 = arith.constant 0 : i32
    %dma_start3A_26 = arith.constant 0 : i32
    %dma_start3A_27 = tpu.memref_slice %arg7[%dma_start3A_24, %dma_start3A_25, %dma_start3A_26] : memref<4x128x64xf32, #tpu.memory_space<vmem>> -> memref<1x128x64xf32, #tpu.memory_space<vmem>>
    %dma_start3A_28 = tpu.memref_squeeze %dma_start3A_27 : memref<1x128x64xf32, #tpu.memory_space<vmem>> -> memref<128x64xf32, #tpu.memory_space<vmem>>
    %dma_start3A_29 = arith.constant 0 : i32
    %dma_start3A_30 = tpu.memref_slice %arg6[%dma_start3A_23, %dma_start3A_29] : memref<200x128xi32, #tpu.memory_space<vmem>> -> memref<1x128xi32, #tpu.memory_space<vmem>>
    %dma_start3A_31 = tpu.memref_squeeze %dma_start3A_30 : memref<1x128xi32, #tpu.memory_space<vmem>> -> memref<128xi32, #tpu.memory_space<vmem>>
    %dma_start3A_32 = arith.constant 0 : i32
    %dma_start3A_33 = arith.constant 0 : i32
    %dma_start3A_34 = tpu.memref_slice %arg3[%dma_start3A_32, %dma_start3A_33] : memref<100000x64xf32, #tpu.memory_space<hbm>> -> memref<100000x64xf32, #tpu.memory_space<hbm>>
    tpu.enqueue_indirect_dma source(%dma_start3A_34 : memref<100000x64xf32, #tpu.memory_space<hbm>>) target(%dma_start3A_28 : memref<128x64xf32, #tpu.memory_space<vmem>>) offsets(%dma_start3A_31 : memref<128xi32, #tpu.memory_space<vmem>>) semaphore(%arg9 : memref<!tpu.dma_semaphore, #tpu.memory_space<semaphore_mem>>)
    %dma_start3A_35 = arith.constant 1 : i32
    %dma_start3A_36 = arith.constant 0 : i32
    %dma_start3A_37 = arith.constant 0 : i32
    %dma_start3A_38 = tpu.memref_slice %arg8[%dma_start3A_35, %dma_start3A_36, %dma_start3A_37] : memref<4x8x1024xf32, #tpu.memory_space<vmem>> -> memref<1x8x1024xf32, #tpu.memory_space<vmem>>
    %dma_start3A_39 = tpu.memref_squeeze %dma_start3A_38 : memref<1x8x1024xf32, #tpu.memory_space<vmem>> -> memref<8x1024xf32, #tpu.memory_space<vmem>>
    %dma_start3A_40 = arith.constant 0 : i32
    %dma_start3A_41 = arith.constant 0 : i32
    %dma_start3A_42 = tpu.memref_slice %arg8[%dma_start3A_35, %dma_start3A_40, %dma_start3A_41] : memref<4x8x1024xf32, #tpu.memory_space<vmem>> -> memref<1x8x1024xf32, #tpu.memory_space<vmem>>
    %dma_start3A_43 = tpu.memref_squeeze %dma_start3A_42 : memref<1x8x1024xf32, #tpu.memory_space<vmem>> -> memref<8x1024xf32, #tpu.memory_space<vmem>>
    tpu.enqueue_dma source(%dma_start3A_43 : memref<8x1024xf32, #tpu.memory_space<vmem>>) target(%arg5 : memref<8x1024xf32, #tpu.memory_space<hbm>>) target_semaphore(%arg10 : memref<!tpu.dma_semaphore, #tpu.memory_space<semaphore_mem>>)
    %dma_start3A_44 = arith.constant 2 : i32
    %dma_start3A_45 = arith.constant 2 : i32
    %dma_start3A_46 = arith.constant 0 : i32
    %dma_start3A_47 = arith.constant 0 : i32
    %dma_start3A_48 = tpu.memref_slice %arg7[%dma_start3A_45, %dma_start3A_46, %dma_start3A_47] : memref<4x128x64xf32, #tpu.memory_space<vmem>> -> memref<1x128x64xf32, #tpu.memory_space<vmem>>
    %dma_start3A_49 = tpu.memref_squeeze %dma_start3A_48 : memref<1x128x64xf32, #tpu.memory_space<vmem>> -> memref<128x64xf32, #tpu.memory_space<vmem>>
    %dma_start3A_50 = arith.constant 0 : i32
    %dma_start3A_51 = tpu.memref_slice %arg6[%dma_start3A_44, %dma_start3A_50] : memref<200x128xi32, #tpu.memory_space<vmem>> -> memref<1x128xi32, #tpu.memory_space<vmem>>
    %dma_start3A_52 = tpu.memref_squeeze %dma_start3A_51 : memref<1x128xi32, #tpu.memory_space<vmem>> -> memref<128xi32, #tpu.memory_space<vmem>>
    %dma_start3A_53 = arith.constant 0 : i32
    %dma_start3A_54 = arith.constant 0 : i32
    %dma_start3A_55 = tpu.memref_slice %arg3[%dma_start3A_53, %dma_start3A_54] : memref<100000x64xf32, #tpu.memory_space<hbm>> -> memref<100000x64xf32, #tpu.memory_space<hbm>>
    tpu.enqueue_indirect_dma source(%dma_start3A_55 : memref<100000x64xf32, #tpu.memory_space<hbm>>) target(%dma_start3A_49 : memref<128x64xf32, #tpu.memory_space<vmem>>) offsets(%dma_start3A_52 : memref<128xi32, #tpu.memory_space<vmem>>) semaphore(%arg9 : memref<!tpu.dma_semaphore, #tpu.memory_space<semaphore_mem>>)
    %dma_start3A_56 = arith.constant 2 : i32
    %dma_start3A_57 = arith.constant 0 : i32
    %dma_start3A_58 = arith.constant 0 : i32
    %dma_start3A_59 = tpu.memref_slice %arg8[%dma_start3A_56, %dma_start3A_57, %dma_start3A_58] : memref<4x8x1024xf32, #tpu.memory_space<vmem>> -> memref<1x8x1024xf32, #tpu.memory_space<vmem>>
    %dma_start3A_60 = tpu.memref_squeeze %dma_start3A_59 : memref<1x8x1024xf32, #tpu.memory_space<vmem>> -> memref<8x1024xf32, #tpu.memory_space<vmem>>
    %dma_start3A_61 = arith.constant 0 : i32
    %dma_start3A_62 = arith.constant 0 : i32
    %dma_start3A_63 = tpu.memref_slice %arg8[%dma_start3A_56, %dma_start3A_61, %dma_start3A_62] : memref<4x8x1024xf32, #tpu.memory_space<vmem>> -> memref<1x8x1024xf32, #tpu.memory_space<vmem>>
    %dma_start3A_64 = tpu.memref_squeeze %dma_start3A_63 : memref<1x8x1024xf32, #tpu.memory_space<vmem>> -> memref<8x1024xf32, #tpu.memory_space<vmem>>
    tpu.enqueue_dma source(%dma_start3A_64 : memref<8x1024xf32, #tpu.memory_space<vmem>>) target(%arg5 : memref<8x1024xf32, #tpu.memory_space<hbm>>) target_semaphore(%arg10 : memref<!tpu.dma_semaphore, #tpu.memory_space<semaphore_mem>>)
    %dma_start3A_65 = arith.constant 3 : i32
    %dma_start3A_66 = arith.constant 3 : i32
    %dma_start3A_67 = arith.constant 0 : i32
    %dma_start3A_68 = arith.constant 0 : i32
    %dma_start3A_69 = tpu.memref_slice %arg7[%dma_start3A_66, %dma_start3A_67, %dma_start3A_68] : memref<4x128x64xf32, #tpu.memory_space<vmem>> -> memref<1x128x64xf32, #tpu.memory_space<vmem>>
    %dma_start3A_70 = tpu.memref_squeeze %dma_start3A_69 : memref<1x128x64xf32, #tpu.memory_space<vmem>> -> memref<128x64xf32, #tpu.memory_space<vmem>>
    %dma_start3A_71 = arith.constant 0 : i32
    %dma_start3A_72 = tpu.memref_slice %arg6[%dma_start3A_65, %dma_start3A_71] : memref<200x128xi32, #tpu.memory_space<vmem>> -> memref<1x128xi32, #tpu.memory_space<vmem>>
    %dma_start3A_73 = tpu.memref_squeeze %dma_start3A_72 : memref<1x128xi32, #tpu.memory_space<vmem>> -> memref<128xi32, #tpu.memory_space<vmem>>
    %dma_start3A_74 = arith.constant 0 : i32
    %dma_start3A_75 = arith.constant 0 : i32
    %dma_start3A_76 = tpu.memref_slice %arg3[%dma_start3A_74, %dma_start3A_75] : memref<100000x64xf32, #tpu.memory_space<hbm>> -> memref<100000x64xf32, #tpu.memory_space<hbm>>
    tpu.enqueue_indirect_dma source(%dma_start3A_76 : memref<100000x64xf32, #tpu.memory_space<hbm>>) target(%dma_start3A_70 : memref<128x64xf32, #tpu.memory_space<vmem>>) offsets(%dma_start3A_73 : memref<128xi32, #tpu.memory_space<vmem>>) semaphore(%arg9 : memref<!tpu.dma_semaphore, #tpu.memory_space<semaphore_mem>>)
    %dma_start3A_77 = arith.constant 3 : i32
    %dma_start3A_78 = arith.constant 0 : i32
    %dma_start3A_79 = arith.constant 0 : i32
    %dma_start3A_80 = tpu.memref_slice %arg8[%dma_start3A_77, %dma_start3A_78, %dma_start3A_79] : memref<4x8x1024xf32, #tpu.memory_space<vmem>> -> memref<1x8x1024xf32, #tpu.memory_space<vmem>>
    %dma_start3A_81 = tpu.memref_squeeze %dma_start3A_80 : memref<1x8x1024xf32, #tpu.memory_space<vmem>> -> memref<8x1024xf32, #tpu.memory_space<vmem>>
    %dma_start3A_82 = arith.constant 0 : i32
    %dma_start3A_83 = arith.constant 0 : i32
    %dma_start3A_84 = tpu.memref_slice %arg8[%dma_start3A_77, %dma_start3A_82, %dma_start3A_83] : memref<4x8x1024xf32, #tpu.memory_space<vmem>> -> memref<1x8x1024xf32, #tpu.memory_space<vmem>>
    %dma_start3A_85 = tpu.memref_squeeze %dma_start3A_84 : memref<1x8x1024xf32, #tpu.memory_space<vmem>> -> memref<8x1024xf32, #tpu.memory_space<vmem>>
    tpu.enqueue_dma source(%dma_start3A_85 : memref<8x1024xf32, #tpu.memory_space<vmem>>) target(%arg5 : memref<8x1024xf32, #tpu.memory_space<hbm>>) target_semaphore(%arg10 : memref<!tpu.dma_semaphore, #tpu.memory_space<semaphore_mem>>)
    %scan3A = arith.constant 0 : i32
    %scan3A_86 = arith.constant 0 : i32
    %scan3A_87 = arith.constant 200 : i32
    %scan3A_88 = arith.addi %scan3A_86, %scan3A_87 : i32
    %scan3A_89 = arith.constant 1 : i32
    scf.for %scan3A_174 = %scan3A_86 to %scan3A_88 step %scan3A_89  : i32 {
      %rem3A = arith.constant 4 : i32
      %rem3A_175 = arith.remsi %scan3A_174, %rem3A : i32
      %dma_wait3A_176 = arith.constant 0 : i32
      %dma_wait3A_177 = arith.constant 0 : i32
      %dma_wait3A_178 = tpu.memref_slice %arg7[%rem3A_175, %dma_wait3A_176, %dma_wait3A_177] : memref<4x128x64xf32, #tpu.memory_space<vmem>> -> memref<1x128x64xf32, #tpu.memory_space<vmem>>
      %dma_wait3A_179 = tpu.memref_squeeze %dma_wait3A_178 : memref<1x128x64xf32, #tpu.memory_space<vmem>> -> memref<128x64xf32, #tpu.memory_space<vmem>>
      %dma_wait3A_180 = arith.constant 0 : i32
      %dma_wait3A_181 = tpu.memref_slice %arg6[%scan3A_174, %dma_wait3A_180] : memref<200x128xi32, #tpu.memory_space<vmem>> -> memref<1x128xi32, #tpu.memory_space<vmem>>
      %dma_wait3A_182 = tpu.memref_squeeze %dma_wait3A_181 : memref<1x128xi32, #tpu.memory_space<vmem>> -> memref<128xi32, #tpu.memory_space<vmem>>
      %dma_wait3A_183 = arith.constant 0 : i32
      %dma_wait3A_184 = arith.constant 0 : i32
      %dma_wait3A_185 = tpu.memref_slice %arg3[%dma_wait3A_183, %dma_wait3A_184] : memref<100000x64xf32, #tpu.memory_space<hbm>> -> memref<100000x64xf32, #tpu.memory_space<hbm>>
      tpu.wait_indirect_dma semaphore(%arg9 : memref<!tpu.dma_semaphore, #tpu.memory_space<semaphore_mem>>) src(%dma_wait3A_185 : memref<100000x64xf32, #tpu.memory_space<hbm>>) dst(%dma_wait3A_179 : memref<128x64xf32, #tpu.memory_space<vmem>>)
      %dma_wait3A_186 = arith.constant 0 : i32
      %dma_wait3A_187 = arith.constant 0 : i32
      %dma_wait3A_188 = arith.constant 0 : i32
      %dma_wait3A_189 = tpu.memref_slice %arg8[%dma_wait3A_186, %dma_wait3A_187, %dma_wait3A_188] : memref<4x8x1024xf32, #tpu.memory_space<vmem>> -> memref<1x8x1024xf32, #tpu.memory_space<vmem>>
      %dma_wait3A_190 = tpu.memref_squeeze %dma_wait3A_189 : memref<1x8x1024xf32, #tpu.memory_space<vmem>> -> memref<8x1024xf32, #tpu.memory_space<vmem>>
      %dma_wait3A_191 = arith.constant 0 : i32
      %dma_wait3A_192 = arith.constant 0 : i32
      %dma_wait3A_193 = tpu.memref_slice %arg8[%dma_wait3A_186, %dma_wait3A_191, %dma_wait3A_192] : memref<4x8x1024xf32, #tpu.memory_space<vmem>> -> memref<1x8x1024xf32, #tpu.memory_space<vmem>>
      %dma_wait3A_194 = tpu.memref_squeeze %dma_wait3A_193 : memref<1x8x1024xf32, #tpu.memory_space<vmem>> -> memref<8x1024xf32, #tpu.memory_space<vmem>>
      tpu.wait_dma2 semaphore(%arg10 : memref<!tpu.dma_semaphore, #tpu.memory_space<semaphore_mem>>) src(%dma_wait3A_194 : memref<8x1024xf32, #tpu.memory_space<vmem>>) dst(%arg5 : memref<8x1024xf32, #tpu.memory_space<hbm>>)
      %parallel_loop3A = arith.constant 0 : i32
      %parallel_loop3A_195 = arith.constant 512 : i32
      %parallel_loop3A_196 = arith.constant 1 : i32
      scf.for %parallel_loop3A_258 = %parallel_loop3A to %parallel_loop3A_195 step %parallel_loop3A_196  : i32 {
        %parallel_loop3A_259 = arith.constant 64 : i32
        %parallel_loop3A_260 = arith.divsi %parallel_loop3A_258, %parallel_loop3A_259 : i32
        %parallel_loop3A_261 = arith.constant 0 : i32
        %parallel_loop3A_262 = arith.cmpi sgt, %parallel_loop3A_258, %parallel_loop3A_261 : i32
        %parallel_loop3A_263 = arith.extui %parallel_loop3A_262 : i1 to i32
        %parallel_loop3A_264 = arith.constant 0 : i32
        %parallel_loop3A_265 = arith.cmpi slt, %parallel_loop3A_258, %parallel_loop3A_264 : i32
        %parallel_loop3A_266 = arith.extui %parallel_loop3A_265 : i1 to i32
        %parallel_loop3A_267 = arith.subi %parallel_loop3A_263, %parallel_loop3A_266 : i32
        %parallel_loop3A_268 = arith.constant 0 : i32
        %parallel_loop3A_269 = arith.cmpi sgt, %parallel_loop3A_259, %parallel_loop3A_268 : i32
        %parallel_loop3A_270 = arith.extui %parallel_loop3A_269 : i1 to i32
        %parallel_loop3A_271 = arith.constant 0 : i32
        %parallel_loop3A_272 = arith.cmpi slt, %parallel_loop3A_259, %parallel_loop3A_271 : i32
        %parallel_loop3A_273 = arith.extui %parallel_loop3A_272 : i1 to i32
        %parallel_loop3A_274 = arith.subi %parallel_loop3A_270, %parallel_loop3A_273 : i32
        %parallel_loop3A_275 = arith.cmpi ne, %parallel_loop3A_267, %parallel_loop3A_274 : i32
        %parallel_loop3A_276 = arith.remsi %parallel_loop3A_258, %parallel_loop3A_259 : i32
        %parallel_loop3A_277 = arith.constant 0 : i32
        %parallel_loop3A_278 = arith.cmpi ne, %parallel_loop3A_276, %parallel_loop3A_277 : i32
        %parallel_loop3A_279 = arith.andi %parallel_loop3A_275, %parallel_loop3A_278 : i1
        %parallel_loop3A_280 = arith.constant 1 : i32
        %parallel_loop3A_281 = arith.subi %parallel_loop3A_260, %parallel_loop3A_280 : i32
        %parallel_loop3A_282 = arith.select %parallel_loop3A_279, %parallel_loop3A_281, %parallel_loop3A_260 : i32
        %parallel_loop3A_283 = arith.constant 64 : i32
        %parallel_loop3A_284 = arith.constant 0 : i32
        %parallel_loop3A_285 = arith.cmpi eq, %parallel_loop3A_283, %parallel_loop3A_284 : i32
        %parallel_loop3A_286 = arith.constant 1 : i32
        %parallel_loop3A_287 = arith.select %parallel_loop3A_285, %parallel_loop3A_286, %parallel_loop3A_283 : i32
        %parallel_loop3A_288 = arith.remsi %parallel_loop3A_258, %parallel_loop3A_287 : i32
        %parallel_loop3A_289 = arith.constant 0 : i32
        %parallel_loop3A_290 = arith.cmpi ne, %parallel_loop3A_288, %parallel_loop3A_289 : i32
        %parallel_loop3A_291 = arith.constant 0 : i32
        %parallel_loop3A_292 = arith.cmpi slt, %parallel_loop3A_288, %parallel_loop3A_291 : i32
        %parallel_loop3A_293 = arith.constant 0 : i32
        %parallel_loop3A_294 = arith.cmpi slt, %parallel_loop3A_287, %parallel_loop3A_293 : i32
        %parallel_loop3A_295 = arith.xori %parallel_loop3A_292, %parallel_loop3A_294 : i1
        %parallel_loop3A_296 = arith.andi %parallel_loop3A_295, %parallel_loop3A_290 : i1
        %parallel_loop3A_297 = arith.addi %parallel_loop3A_288, %parallel_loop3A_287 : i32
        %parallel_loop3A_298 = arith.select %parallel_loop3A_296, %parallel_loop3A_297, %parallel_loop3A_288 : i32
        %parallel_loop3A_299 = arith.constant 16 : i32
        %parallel_loop3A_300 = arith.muli %parallel_loop3A_282, %parallel_loop3A_299 : i32
        %parallel_loop3A_301 = vector.broadcast %parallel_loop3A_300 : i32 to vector<16xi32>
        %parallel_loop3A_302 = arith.addi %parallel_loop3A_301, %iota3A : vector<16xi32>
        %parallel_loop3A_303 = vector.broadcast %parallel_loop3A_298 : i32 to vector<16xi32>
        %parallel_loop3A_304 = arith.constant 0 : i32
        %parallel_loop3A_305 = arith.constant 0 : i32
        %parallel_loop3A_306 = tpu.memref_slice %arg7[%rem3A_175, %parallel_loop3A_304, %parallel_loop3A_305] : memref<4x128x64xf32, #tpu.memory_space<vmem>> -> memref<1x128x64xf32, #tpu.memory_space<vmem>>
        %parallel_loop3A_307 = tpu.memref_squeeze %parallel_loop3A_306 : memref<1x128x64xf32, #tpu.memory_space<vmem>> -> memref<128x64xf32, #tpu.memory_space<vmem>>
        %parallel_loop3A_308 = tpu.vector_load_idx %parallel_loop3A_307[%parallel_loop3A_302, %parallel_loop3A_303] : memref<128x64xf32, #tpu.memory_space<vmem>>[vector<16xi32>, vector<16xi32>], vector<16xf32>,
        %parallel_loop3A_309 = arith.constant 8 : i32
        %parallel_loop3A_310 = arith.divsi %parallel_loop3A_298, %parallel_loop3A_309 : i32
        %parallel_loop3A_311 = arith.constant 0 : i32
        %parallel_loop3A_312 = arith.cmpi sgt, %parallel_loop3A_298, %parallel_loop3A_311 : i32
        %parallel_loop3A_313 = arith.extui %parallel_loop3A_312 : i1 to i32
        %parallel_loop3A_314 = arith.constant 0 : i32
        %parallel_loop3A_315 = arith.cmpi slt, %parallel_loop3A_298, %parallel_loop3A_314 : i32
        %parallel_loop3A_316 = arith.extui %parallel_loop3A_315 : i1 to i32
        %parallel_loop3A_317 = arith.subi %parallel_loop3A_313, %parallel_loop3A_316 : i32
        %parallel_loop3A_318 = arith.constant 0 : i32
        %parallel_loop3A_319 = arith.cmpi sgt, %parallel_loop3A_309, %parallel_loop3A_318 : i32
        %parallel_loop3A_320 = arith.extui %parallel_loop3A_319 : i1 to i32
        %parallel_loop3A_321 = arith.constant 0 : i32
        %parallel_loop3A_322 = arith.cmpi slt, %parallel_loop3A_309, %parallel_loop3A_321 : i32
        %parallel_loop3A_323 = arith.extui %parallel_loop3A_322 : i1 to i32
        %parallel_loop3A_324 = arith.subi %parallel_loop3A_320, %parallel_loop3A_323 : i32
        %parallel_loop3A_325 = arith.cmpi ne, %parallel_loop3A_317, %parallel_loop3A_324 : i32
        %parallel_loop3A_326 = arith.remsi %parallel_loop3A_298, %parallel_loop3A_309 : i32
        %parallel_loop3A_327 = arith.constant 0 : i32
        %parallel_loop3A_328 = arith.cmpi ne, %parallel_loop3A_326, %parallel_loop3A_327 : i32
        %parallel_loop3A_329 = arith.andi %parallel_loop3A_325, %parallel_loop3A_328 : i1
        %parallel_loop3A_330 = arith.constant 1 : i32
        %parallel_loop3A_331 = arith.subi %parallel_loop3A_310, %parallel_loop3A_330 : i32
        %parallel_loop3A_332 = arith.select %parallel_loop3A_329, %parallel_loop3A_331, %parallel_loop3A_310 : i32
        %parallel_loop3A_333 = arith.constant 8 : i32
        %parallel_loop3A_334 = arith.constant 0 : i32
        %parallel_loop3A_335 = arith.cmpi eq, %parallel_loop3A_333, %parallel_loop3A_334 : i32
        %parallel_loop3A_336 = arith.constant 1 : i32
        %parallel_loop3A_337 = arith.select %parallel_loop3A_335, %parallel_loop3A_336, %parallel_loop3A_333 : i32
        %parallel_loop3A_338 = arith.remsi %parallel_loop3A_298, %parallel_loop3A_337 : i32
        %parallel_loop3A_339 = arith.constant 0 : i32
        %parallel_loop3A_340 = arith.cmpi ne, %parallel_loop3A_338, %parallel_loop3A_339 : i32
        %parallel_loop3A_341 = arith.constant 0 : i32
        %parallel_loop3A_342 = arith.cmpi slt, %parallel_loop3A_338, %parallel_loop3A_341 : i32
        %parallel_loop3A_343 = arith.constant 0 : i32
        %parallel_loop3A_344 = arith.cmpi slt, %parallel_loop3A_337, %parallel_loop3A_343 : i32
        %parallel_loop3A_345 = arith.xori %parallel_loop3A_342, %parallel_loop3A_344 : i1
        %parallel_loop3A_346 = arith.andi %parallel_loop3A_345, %parallel_loop3A_340 : i1
        %parallel_loop3A_347 = arith.addi %parallel_loop3A_338, %parallel_loop3A_337 : i32
        %parallel_loop3A_348 = arith.select %parallel_loop3A_346, %parallel_loop3A_347, %parallel_loop3A_338 : i32
        %parallel_loop3A_349 = arith.constant 128 : i32
        %parallel_loop3A_350 = arith.muli %parallel_loop3A_348, %parallel_loop3A_349 : i32
        %parallel_loop3A_351 = arith.constant 16 : i32
        %parallel_loop3A_352 = arith.muli %parallel_loop3A_282, %parallel_loop3A_351 : i32
        %parallel_loop3A_353 = arith.addi %parallel_loop3A_350, %parallel_loop3A_352 : i32
        %parallel_loop3A_354 = arith.constant 0 : i32
        %parallel_loop3A_355 = arith.constant 0 : i32
        %parallel_loop3A_356 = tpu.memref_slice %arg8[%rem3A_175, %parallel_loop3A_354, %parallel_loop3A_355] : memref<4x8x1024xf32, #tpu.memory_space<vmem>> -> memref<1x8x1024xf32, #tpu.memory_space<vmem>>
        %parallel_loop3A_357 = tpu.memref_squeeze %parallel_loop3A_356 : memref<1x8x1024xf32, #tpu.memory_space<vmem>> -> memref<8x1024xf32, #tpu.memory_space<vmem>>
        %parallel_loop3A_358 = arith.index_cast %parallel_loop3A_332 : i32 to index
        %parallel_loop3A_359 = arith.index_cast %parallel_loop3A_353 : i32 to index
        %parallel_loop3A_360 = tpu.vector_load %parallel_loop3A_357[%parallel_loop3A_358, %parallel_loop3A_359] {strides = array<i32>} : memref<8x1024xf32, #tpu.memory_space<vmem>>, vector<16xf32>,
        tpu.vector_store %parallel_loop3A_357[%parallel_loop3A_358, %parallel_loop3A_359], %parallel_loop3A_308 {strides = array<i32>} : memref<8x1024xf32, #tpu.memory_space<vmem>>, vector<16xf32>,
      } {sc.loop_unroll_factor = 8 : i64, sc.parallel_access}
      %add3A_197 = arith.addi %mul3A_2, %scan3A_174 : i32
      %jit3A = arith.constant 128 : i32
      %div3A = arith.divsi %add3A_197, %jit3A : i32
      %sign3A = arith.constant 0 : i32
      %sign3A_198 = arith.cmpi sgt, %add3A_197, %sign3A : i32
      %sign3A_199 = arith.extui %sign3A_198 : i1 to i32
      %sign3A_200 = arith.constant 0 : i32
      %sign3A_201 = arith.cmpi slt, %add3A_197, %sign3A_200 : i32
      %sign3A_202 = arith.extui %sign3A_201 : i1 to i32
      %sign3A_203 = arith.subi %sign3A_199, %sign3A_202 : i32
      %sign3A_204 = arith.constant 0 : i32
      %sign3A_205 = arith.cmpi sgt, %jit3A, %sign3A_204 : i32
      %sign3A_206 = arith.extui %sign3A_205 : i1 to i32
      %sign3A_207 = arith.constant 0 : i32
      %sign3A_208 = arith.cmpi slt, %jit3A, %sign3A_207 : i32
      %sign3A_209 = arith.extui %sign3A_208 : i1 to i32
      %sign3A_210 = arith.subi %sign3A_206, %sign3A_209 : i32
      %ne3A = arith.cmpi ne, %sign3A_203, %sign3A_210 : i32
      %rem3A_211 = arith.remsi %add3A_197, %jit3A : i32
      %ne3A_212 = arith.constant 0 : i32
      %ne3A_213 = arith.cmpi ne, %rem3A_211, %ne3A_212 : i32
      %and3A = arith.andi %ne3A, %ne3A_213 : i1
      %sub3A = arith.constant 1 : i32
      %sub3A_214 = arith.subi %div3A, %sub3A : i32
      %select_n3A = arith.select %and3A, %sub3A_214, %div3A : i32
      %jit3A_215 = arith.constant 128 : i32
      %eq3A = arith.constant 0 : i32
      %eq3A_216 = arith.cmpi eq, %jit3A_215, %eq3A : i32
      %jit3A_217 = arith.constant 1 : i32
      %select_n3A_218 = arith.select %eq3A_216, %jit3A_217, %jit3A_215 : i32
      %rem3A_219 = arith.remsi %add3A_197, %select_n3A_218 : i32
      %ne3A_220 = arith.constant 0 : i32
      %ne3A_221 = arith.cmpi ne, %rem3A_219, %ne3A_220 : i32
      %lt3A = arith.constant 0 : i32
      %lt3A_222 = arith.cmpi slt, %rem3A_219, %lt3A : i32
      %lt3A_223 = arith.constant 0 : i32
      %lt3A_224 = arith.cmpi slt, %select_n3A_218, %lt3A_223 : i32
      %ne3A_225 = arith.xori %lt3A_222, %lt3A_224 : i1
      %and3A_226 = arith.andi %ne3A_225, %ne3A_221 : i1
      %add3A_227 = arith.addi %rem3A_219, %select_n3A_218 : i32
      %select_n3A_228 = arith.select %and3A_226, %add3A_227, %rem3A_219 : i32
      %dma_start3A_229 = arith.constant 0 : i32
      %dma_start3A_230 = arith.constant 0 : i32
      %dma_start3A_231 = tpu.memref_slice %arg8[%rem3A_175, %dma_start3A_229, %dma_start3A_230] : memref<4x8x1024xf32, #tpu.memory_space<vmem>> -> memref<1x8x1024xf32, #tpu.memory_space<vmem>>
      %dma_start3A_232 = tpu.memref_squeeze %dma_start3A_231 : memref<1x8x1024xf32, #tpu.memory_space<vmem>> -> memref<8x1024xf32, #tpu.memory_space<vmem>>
      %dma_start3A_233 = arith.constant 0 : i32
      %dma_start3A_234 = arith.constant 0 : i32
      %dma_start3A_235 = tpu.memref_slice %arg4[%select_n3A, %dma_start3A_233, %select_n3A_228, %dma_start3A_234] : memref<50x8x128x1024xf32, #tpu.memory_space<hbm>> -> memref<1x8x1x1024xf32, #tpu.memory_space<hbm>>
      %dma_start3A_236 = tpu.memref_squeeze %dma_start3A_235 : memref<1x8x1x1024xf32, #tpu.memory_space<hbm>> -> memref<8x1024xf32, #tpu.memory_space<hbm>>
      %dma_start3A_237 = arith.constant 0 : i32
      %dma_start3A_238 = arith.constant 0 : i32
      %dma_start3A_239 = tpu.memref_slice %arg4[%select_n3A, %dma_start3A_237, %select_n3A_228, %dma_start3A_238] : memref<50x8x128x1024xf32, #tpu.memory_space<hbm>> -> memref<1x8x1x1024xf32, #tpu.memory_space<hbm>>
      %dma_start3A_240 = tpu.memref_squeeze %dma_start3A_239 : memref<1x8x1x1024xf32, #tpu.memory_space<hbm>> -> memref<8x1024xf32, #tpu.memory_space<hbm>>
      %dma_start3A_241 = arith.constant 0 : i32
      %dma_start3A_242 = arith.constant 0 : i32
      %dma_start3A_243 = tpu.memref_slice %arg8[%rem3A_175, %dma_start3A_241, %dma_start3A_242] : memref<4x8x1024xf32, #tpu.memory_space<vmem>> -> memref<1x8x1024xf32, #tpu.memory_space<vmem>>
      %dma_start3A_244 = tpu.memref_squeeze %dma_start3A_243 : memref<1x8x1024xf32, #tpu.memory_space<vmem>> -> memref<8x1024xf32, #tpu.memory_space<vmem>>
      tpu.enqueue_dma source(%dma_start3A_244 : memref<8x1024xf32, #tpu.memory_space<vmem>>) target(%dma_start3A_240 : memref<8x1024xf32, #tpu.memory_space<hbm>>) target_semaphore(%arg10 : memref<!tpu.dma_semaphore, #tpu.memory_space<semaphore_mem>>)
      %add3A_245 = arith.constant 4 : i32
      %add3A_246 = arith.addi %scan3A_174, %add3A_245 : i32
      %min3A = arith.constant 199 : i32
      %min3A_247 = arith.minsi %add3A_246, %min3A : i32
      %dma_start3A_248 = arith.constant 0 : i32
      %dma_start3A_249 = arith.constant 0 : i32
      %dma_start3A_250 = tpu.memref_slice %arg7[%rem3A_175, %dma_start3A_248, %dma_start3A_249] : memref<4x128x64xf32, #tpu.memory_space<vmem>> -> memref<1x128x64xf32, #tpu.memory_space<vmem>>
      %dma_start3A_251 = tpu.memref_squeeze %dma_start3A_250 : memref<1x128x64xf32, #tpu.memory_space<vmem>> -> memref<128x64xf32, #tpu.memory_space<vmem>>
      %dma_start3A_252 = arith.constant 0 : i32
      %dma_start3A_253 = tpu.memref_slice %arg6[%min3A_247, %dma_start3A_252] : memref<200x128xi32, #tpu.memory_space<vmem>> -> memref<1x128xi32, #tpu.memory_space<vmem>>
      %dma_start3A_254 = tpu.memref_squeeze %dma_start3A_253 : memref<1x128xi32, #tpu.memory_space<vmem>> -> memref<128xi32, #tpu.memory_space<vmem>>
      %dma_start3A_255 = arith.constant 0 : i32
      %dma_start3A_256 = arith.constant 0 : i32
      %dma_start3A_257 = tpu.memref_slice %arg3[%dma_start3A_255, %dma_start3A_256] : memref<100000x64xf32, #tpu.memory_space<hbm>> -> memref<100000x64xf32, #tpu.memory_space<hbm>>
      tpu.enqueue_indirect_dma source(%dma_start3A_257 : memref<100000x64xf32, #tpu.memory_space<hbm>>) target(%dma_start3A_251 : memref<128x64xf32, #tpu.memory_space<vmem>>) offsets(%dma_start3A_254 : memref<128xi32, #tpu.memory_space<vmem>>) semaphore(%arg9 : memref<!tpu.dma_semaphore, #tpu.memory_space<semaphore_mem>>)
    }
    %scan3A_90 = arith.constant 200 : i32
    %dma_wait3A = arith.constant 0 : i32
    %dma_wait3A_91 = arith.constant 0 : i32
    %dma_wait3A_92 = arith.constant 0 : i32
    %dma_wait3A_93 = arith.constant 0 : i32
    %dma_wait3A_94 = tpu.memref_slice %arg7[%dma_wait3A_91, %dma_wait3A_92, %dma_wait3A_93] : memref<4x128x64xf32, #tpu.memory_space<vmem>> -> memref<1x128x64xf32, #tpu.memory_space<vmem>>
    %dma_wait3A_95 = tpu.memref_squeeze %dma_wait3A_94 : memref<1x128x64xf32, #tpu.memory_space<vmem>> -> memref<128x64xf32, #tpu.memory_space<vmem>>
    %dma_wait3A_96 = arith.constant 0 : i32
    %dma_wait3A_97 = tpu.memref_slice %arg6[%dma_wait3A, %dma_wait3A_96] : memref<200x128xi32, #tpu.memory_space<vmem>> -> memref<1x128xi32, #tpu.memory_space<vmem>>
    %dma_wait3A_98 = tpu.memref_squeeze %dma_wait3A_97 : memref<1x128xi32, #tpu.memory_space<vmem>> -> memref<128xi32, #tpu.memory_space<vmem>>
    %dma_wait3A_99 = arith.constant 0 : i32
    %dma_wait3A_100 = arith.constant 0 : i32
    %dma_wait3A_101 = tpu.memref_slice %arg3[%dma_wait3A_99, %dma_wait3A_100] : memref<100000x64xf32, #tpu.memory_space<hbm>> -> memref<100000x64xf32, #tpu.memory_space<hbm>>
    tpu.wait_indirect_dma semaphore(%arg9 : memref<!tpu.dma_semaphore, #tpu.memory_space<semaphore_mem>>) src(%dma_wait3A_101 : memref<100000x64xf32, #tpu.memory_space<hbm>>) dst(%dma_wait3A_95 : memref<128x64xf32, #tpu.memory_space<vmem>>)
    %dma_wait3A_102 = arith.constant 0 : i32
    %dma_wait3A_103 = arith.constant 0 : i32
    %dma_wait3A_104 = arith.constant 0 : i32
    %dma_wait3A_105 = tpu.memref_slice %arg8[%dma_wait3A_102, %dma_wait3A_103, %dma_wait3A_104] : memref<4x8x1024xf32, #tpu.memory_space<vmem>> -> memref<1x8x1024xf32, #tpu.memory_space<vmem>>
    %dma_wait3A_106 = tpu.memref_squeeze %dma_wait3A_105 : memref<1x8x1024xf32, #tpu.memory_space<vmem>> -> memref<8x1024xf32, #tpu.memory_space<vmem>>
    %dma_wait3A_107 = arith.constant 0 : i32
    %dma_wait3A_108 = arith.constant 0 : i32
    %dma_wait3A_109 = tpu.memref_slice %arg8[%dma_wait3A_102, %dma_wait3A_107, %dma_wait3A_108] : memref<4x8x1024xf32, #tpu.memory_space<vmem>> -> memref<1x8x1024xf32, #tpu.memory_space<vmem>>
    %dma_wait3A_110 = tpu.memref_squeeze %dma_wait3A_109 : memref<1x8x1024xf32, #tpu.memory_space<vmem>> -> memref<8x1024xf32, #tpu.memory_space<vmem>>
    tpu.wait_dma2 semaphore(%arg10 : memref<!tpu.dma_semaphore, #tpu.memory_space<semaphore_mem>>) src(%dma_wait3A_110 : memref<8x1024xf32, #tpu.memory_space<vmem>>) dst(%arg5 : memref<8x1024xf32, #tpu.memory_space<hbm>>)
    %dma_wait3A_111 = arith.constant 0 : i32
    %dma_wait3A_112 = arith.constant 1 : i32
    %dma_wait3A_113 = arith.constant 0 : i32
    %dma_wait3A_114 = arith.constant 0 : i32
    %dma_wait3A_115 = tpu.memref_slice %arg7[%dma_wait3A_112, %dma_wait3A_113, %dma_wait3A_114] : memref<4x128x64xf32, #tpu.memory_space<vmem>> -> memref<1x128x64xf32, #tpu.memory_space<vmem>>
    %dma_wait3A_116 = tpu.memref_squeeze %dma_wait3A_115 : memref<1x128x64xf32, #tpu.memory_space<vmem>> -> memref<128x64xf32, #tpu.memory_space<vmem>>
    %dma_wait3A_117 = arith.constant 0 : i32
    %dma_wait3A_118 = tpu.memref_slice %arg6[%dma_wait3A_111, %dma_wait3A_117] : memref<200x128xi32, #tpu.memory_space<vmem>> -> memref<1x128xi32, #tpu.memory_space<vmem>>
    %dma_wait3A_119 = tpu.memref_squeeze %dma_wait3A_118 : memref<1x128xi32, #tpu.memory_space<vmem>> -> memref<128xi32, #tpu.memory_space<vmem>>
    %dma_wait3A_120 = arith.constant 0 : i32
    %dma_wait3A_121 = arith.constant 0 : i32
    %dma_wait3A_122 = tpu.memref_slice %arg3[%dma_wait3A_120, %dma_wait3A_121] : memref<100000x64xf32, #tpu.memory_space<hbm>> -> memref<100000x64xf32, #tpu.memory_space<hbm>>
    tpu.wait_indirect_dma semaphore(%arg9 : memref<!tpu.dma_semaphore, #tpu.memory_space<semaphore_mem>>) src(%dma_wait3A_122 : memref<100000x64xf32, #tpu.memory_space<hbm>>) dst(%dma_wait3A_116 : memref<128x64xf32, #tpu.memory_space<vmem>>)
    %dma_wait3A_123 = arith.constant 0 : i32
    %dma_wait3A_124 = arith.constant 0 : i32
    %dma_wait3A_125 = arith.constant 0 : i32
    %dma_wait3A_126 = tpu.memref_slice %arg8[%dma_wait3A_123, %dma_wait3A_124, %dma_wait3A_125] : memref<4x8x1024xf32, #tpu.memory_space<vmem>> -> memref<1x8x1024xf32, #tpu.memory_space<vmem>>
    %dma_wait3A_127 = tpu.memref_squeeze %dma_wait3A_126 : memref<1x8x1024xf32, #tpu.memory_space<vmem>> -> memref<8x1024xf32, #tpu.memory_space<vmem>>
    %dma_wait3A_128 = arith.constant 0 : i32
    %dma_wait3A_129 = arith.constant 0 : i32
    %dma_wait3A_130 = tpu.memref_slice %arg8[%dma_wait3A_123, %dma_wait3A_128, %dma_wait3A_129] : memref<4x8x1024xf32, #tpu.memory_space<vmem>> -> memref<1x8x1024xf32, #tpu.memory_space<vmem>>
    %dma_wait3A_131 = tpu.memref_squeeze %dma_wait3A_130 : memref<1x8x1024xf32, #tpu.memory_space<vmem>> -> memref<8x1024xf32, #tpu.memory_space<vmem>>
    tpu.wait_dma2 semaphore(%arg10 : memref<!tpu.dma_semaphore, #tpu.memory_space<semaphore_mem>>) src(%dma_wait3A_131 : memref<8x1024xf32, #tpu.memory_space<vmem>>) dst(%arg5 : memref<8x1024xf32, #tpu.memory_space<hbm>>)
    %dma_wait3A_132 = arith.constant 0 : i32
    %dma_wait3A_133 = arith.constant 2 : i32
    %dma_wait3A_134 = arith.constant 0 : i32
    %dma_wait3A_135 = arith.constant 0 : i32
    %dma_wait3A_136 = tpu.memref_slice %arg7[%dma_wait3A_133, %dma_wait3A_134, %dma_wait3A_135] : memref<4x128x64xf32, #tpu.memory_space<vmem>> -> memref<1x128x64xf32, #tpu.memory_space<vmem>>
    %dma_wait3A_137 = tpu.memref_squeeze %dma_wait3A_136 : memref<1x128x64xf32, #tpu.memory_space<vmem>> -> memref<128x64xf32, #tpu.memory_space<vmem>>
    %dma_wait3A_138 = arith.constant 0 : i32
    %dma_wait3A_139 = tpu.memref_slice %arg6[%dma_wait3A_132, %dma_wait3A_138] : memref<200x128xi32, #tpu.memory_space<vmem>> -> memref<1x128xi32, #tpu.memory_space<vmem>>
    %dma_wait3A_140 = tpu.memref_squeeze %dma_wait3A_139 : memref<1x128xi32, #tpu.memory_space<vmem>> -> memref<128xi32, #tpu.memory_space<vmem>>
    %dma_wait3A_141 = arith.constant 0 : i32
    %dma_wait3A_142 = arith.constant 0 : i32
    %dma_wait3A_143 = tpu.memref_slice %arg3[%dma_wait3A_141, %dma_wait3A_142] : memref<100000x64xf32, #tpu.memory_space<hbm>> -> memref<100000x64xf32, #tpu.memory_space<hbm>>
    tpu.wait_indirect_dma semaphore(%arg9 : memref<!tpu.dma_semaphore, #tpu.memory_space<semaphore_mem>>) src(%dma_wait3A_143 : memref<100000x64xf32, #tpu.memory_space<hbm>>) dst(%dma_wait3A_137 : memref<128x64xf32, #tpu.memory_space<vmem>>)
    %dma_wait3A_144 = arith.constant 0 : i32
    %dma_wait3A_145 = arith.constant 0 : i32
    %dma_wait3A_146 = arith.constant 0 : i32
    %dma_wait3A_147 = tpu.memref_slice %arg8[%dma_wait3A_144, %dma_wait3A_145, %dma_wait3A_146] : memref<4x8x1024xf32, #tpu.memory_space<vmem>> -> memref<1x8x1024xf32, #tpu.memory_space<vmem>>
    %dma_wait3A_148 = tpu.memref_squeeze %dma_wait3A_147 : memref<1x8x1024xf32, #tpu.memory_space<vmem>> -> memref<8x1024xf32, #tpu.memory_space<vmem>>
    %dma_wait3A_149 = arith.constant 0 : i32
    %dma_wait3A_150 = arith.constant 0 : i32
    %dma_wait3A_151 = tpu.memref_slice %arg8[%dma_wait3A_144, %dma_wait3A_149, %dma_wait3A_150] : memref<4x8x1024xf32, #tpu.memory_space<vmem>> -> memref<1x8x1024xf32, #tpu.memory_space<vmem>>
    %dma_wait3A_152 = tpu.memref_squeeze %dma_wait3A_151 : memref<1x8x1024xf32, #tpu.memory_space<vmem>> -> memref<8x1024xf32, #tpu.memory_space<vmem>>
    tpu.wait_dma2 semaphore(%arg10 : memref<!tpu.dma_semaphore, #tpu.memory_space<semaphore_mem>>) src(%dma_wait3A_152 : memref<8x1024xf32, #tpu.memory_space<vmem>>) dst(%arg5 : memref<8x1024xf32, #tpu.memory_space<hbm>>)
    %dma_wait3A_153 = arith.constant 0 : i32
    %dma_wait3A_154 = arith.constant 3 : i32
    %dma_wait3A_155 = arith.constant 0 : i32
    %dma_wait3A_156 = arith.constant 0 : i32
    %dma_wait3A_157 = tpu.memref_slice %arg7[%dma_wait3A_154, %dma_wait3A_155, %dma_wait3A_156] : memref<4x128x64xf32, #tpu.memory_space<vmem>> -> memref<1x128x64xf32, #tpu.memory_space<vmem>>
    %dma_wait3A_158 = tpu.memref_squeeze %dma_wait3A_157 : memref<1x128x64xf32, #tpu.memory_space<vmem>> -> memref<128x64xf32, #tpu.memory_space<vmem>>
    %dma_wait3A_159 = arith.constant 0 : i32
    %dma_wait3A_160 = tpu.memref_slice %arg6[%dma_wait3A_153, %dma_wait3A_159] : memref<200x128xi32, #tpu.memory_space<vmem>> -> memref<1x128xi32, #tpu.memory_space<vmem>>
    %dma_wait3A_161 = tpu.memref_squeeze %dma_wait3A_160 : memref<1x128xi32, #tpu.memory_space<vmem>> -> memref<128xi32, #tpu.memory_space<vmem>>
    %dma_wait3A_162 = arith.constant 0 : i32
    %dma_wait3A_163 = arith.constant 0 : i32
    %dma_wait3A_164 = tpu.memref_slice %arg3[%dma_wait3A_162, %dma_wait3A_163] : memref<100000x64xf32, #tpu.memory_space<hbm>> -> memref<100000x64xf32, #tpu.memory_space<hbm>>
    tpu.wait_indirect_dma semaphore(%arg9 : memref<!tpu.dma_semaphore, #tpu.memory_space<semaphore_mem>>) src(%dma_wait3A_164 : memref<100000x64xf32, #tpu.memory_space<hbm>>) dst(%dma_wait3A_158 : memref<128x64xf32, #tpu.memory_space<vmem>>)
    %dma_wait3A_165 = arith.constant 0 : i32
    %dma_wait3A_166 = arith.constant 0 : i32
    %dma_wait3A_167 = arith.constant 0 : i32
    %dma_wait3A_168 = tpu.memref_slice %arg8[%dma_wait3A_165, %dma_wait3A_166, %dma_wait3A_167] : memref<4x8x1024xf32, #tpu.memory_space<vmem>> -> memref<1x8x1024xf32, #tpu.memory_space<vmem>>
    %dma_wait3A_169 = tpu.memref_squeeze %dma_wait3A_168 : memref<1x8x1024xf32, #tpu.memory_space<vmem>> -> memref<8x1024xf32, #tpu.memory_space<vmem>>
    %dma_wait3A_170 = arith.constant 0 : i32
    %dma_wait3A_171 = arith.constant 0 : i32
    %dma_wait3A_172 = tpu.memref_slice %arg8[%dma_wait3A_165, %dma_wait3A_170, %dma_wait3A_171] : memref<4x8x1024xf32, #tpu.memory_space<vmem>> -> memref<1x8x1024xf32, #tpu.memory_space<vmem>>
    %dma_wait3A_173 = tpu.memref_squeeze %dma_wait3A_172 : memref<1x8x1024xf32, #tpu.memory_space<vmem>> -> memref<8x1024xf32, #tpu.memory_space<vmem>>
    tpu.wait_dma2 semaphore(%arg10 : memref<!tpu.dma_semaphore, #tpu.memory_space<semaphore_mem>>) src(%dma_wait3A_173 : memref<8x1024xf32, #tpu.memory_space<vmem>>) dst(%arg5 : memref<8x1024xf32, #tpu.memory_space<hbm>>)
    return
  }
}

</mosaic_0001>

<sc_bundles>
// kernel: _lookup.3.cloned.1.call-start
scs
__scs_entry_jumppad:
0x0: {  	(pc) =	sbr.rel $0x88, $3  }
0x1: {  	(tag) =	ssettag $0x0;
	lr =	simm.s32 $0x1  }
0x2: {  	[smem:$0x3F9F] =	sst lr;
	_ =	strace $0xD0000000  }
0x3: {  	_ = 	snop  }
0x4: {  	_ = 	snop  }
0x5: {  	_ = 	snop  }
0x6: {  	_ = 	snop  }
0x7: {  	_ = 	snop  }
__scs_overlays_trampoline_lowered:
0x8: {  	[smem:$0x3FAE] =	sst s0  }
0x9: {  	[smem:$0x3FAF] =	sst s1  }
0xa: {  	[smem:$0x3FB0] =	sst s2  }
0xb: {  	[smem:$0x3FB1] =	sst s3  }
0xc: {  	[smem:$0x3FB2] =	sst s4  }
0xd: {  	[smem:$0x3FB3] =	sst s5  }
0xe: {  	[smem:$0x3FB4] =	sst s6  }
0xf: {  	[smem:$0x3FB5] =	sst s7  }
0x10: {  	[smem:$0x3FB6] =	sst s8  }
0x11: {  	[smem:$0x3FB7] =	sst s9;
	s0 =	simm.s32 @!p0 $0x0  }
0x12: {  	s1 =	sld [smem:$0x3F9D];
	s0 =	simm.s32 @p0 $0x1  }
0x13: {  	[smem:$0x3FB8] =	sst s0;
	s0 =	simm.s32 @!p1 $0x0  }
0x14: {  	s2 =	sld [smem:$0x3F9C];
	s0 =	simm.s32 @p1 $0x1  }
0x15: {  	[smem:$0x3FB9] =	sst s0;
	s0 =	simm.s32 @!p2 $0x0  }
0x16: {  	s3 =	sld [smem:$0x3FDB];
	s0 =	simm.s32 @p2 $0x1  }
0x17: {  	s4 =	simm.s32 $0x1BF5;
	[smem:$0x3FBB] =	sst s0  }
0x18: {  	s0 =	sld [smem:$0x3F9E];
	_ =	swait.ge [sflag:s4], $0x0  }
0x19: {  	s7 =	sld [smem:$0x3F9F]  }
0x1a: {  	s8 =	sadd.s32 $0xFFFFE003, lr  }
0x1b: {  	s9 =	sadd.s32 $0xFFFFFEF7, lr;
	s5 =	simm.s32 $0xFFFFFFFF;
	p2 =	slt.u32 s8, $0xFFFFF086  }
0x1c: {  	p1 =	slt.u32 s9, $0xF7A;
	s5 =	simm.s32 @!p2 $0x0  }
0x1d: {  	s5 =	simm.s32 @p1 $0x1;
	p0 =	seq.s32 s7, s2  }
0x1e: {  	s7 =	smul.u32 @!p0 $0xF7A, s2;
	p2 =	seq.s32 @!p0 s5, $0x0  }
0x1f: {  	s9 =	smul.u32 $0xF7A, s1;
	s8 =	simm.s32 @!p0 $0x1BF5;
	p2 =	por !p2, p0  }
0x20: {  	[sflag:s8] =	ssyncset.s32 @!p0 $0xFFFFF086;
	s6 =	sadd.s32 @!p0 s3, s7;
	s7 =	simm.s32 @!p0 $0x108  }
0x21: {  	s3 =	sadd.s32 s3, s9;
	s6 =	sadd.s32 @!p0 $0x88, s6;
	s7 =	simm.s32 @p2 $0x1082  }
0x22: {  	[simem:s7], [sflag:s8] =	dma.local @!p0 [hbm:s6], $0xF7A  }
0x23: {  	s9 =	sor.u32 $0xD0000000, s2;
	s6 =	simm.s32 $0x108;
	_ =	swait.ge @!p0 [sflag:s8], $0x0  }
0x24: {  	s3 =	sadd.s32 $0x88, s3;
	s6 =	simm.s32 @!p1 $0x1082;
	[sflag:s4] =	ssyncset.s32 $0xFFFFF086  }
0x25: {  	[simem:s6], [sflag:s4] =	dma.local [hbm:s3], $0xF7A  }
0x26: {  	[smem:$0x3F9F] =	sst s1;
	(tag) =	ssettag s2;
	_ =	strace s9  }
0x27: {  	s1 =	sld [smem:$0x3FAF]  }
0x28: {  	s2 =	sld [smem:$0x3FB0]  }
0x29: {  	s4 =	sld [smem:$0x3FB2]  }
0x2a: {  	p0 =	seq.s32 s5, $0x0;
	s5 =	sld [smem:$0x3FB3]  }
0x2b: {  	s6 =	sld [smem:$0x3FB4]  }
0x2c: {  	s7 =	sld [smem:$0x3FB5]  }
0x2d: {  	s3 =	simm.s32 $0x108;
	s8 =	sld [smem:$0x3FB6]  }
0x2e: {  	s3 =	simm.s32 @!p0 $0x1082;
	s9 =	sld [smem:$0x3FB7]  }
0x2f: {  	lr =	sadd.s32 s0, s3;
	s0 =	sld [smem:$0x3FAE]  }
0x30: {  	s3 =	sld [smem:$0x3FB1]  }
0x31: {  	[smem:$0x3FBA] =	sst s10  }
0x32: {  	s10 =	sld [smem:$0x3FB8];
	_ =	sdelay $0x3  }
0x33: {  	p0 =	seq.s32 s10, $0x1;
	s10 =	sld [smem:$0x3FBA];
	_ =	sdelay $0x3  }
0x34: {  	[smem:$0x3FBA] =	sst s10  }
0x35: {  	s10 =	sld [smem:$0x3FB9];
	_ =	sdelay $0x3  }
0x36: {  	p1 =	seq.s32 s10, $0x1;
	s10 =	sld [smem:$0x3FBA];
	_ =	sdelay $0x3  }
0x37: {  	[smem:$0x3FBA] =	sst s10  }
0x38: {  	s10 =	sld [smem:$0x3FBB]  }
0x39: {  	_ = 	snop;
	(pc) =	sbr.ind lr, $3  }
0x3a: {  	_ = 	snop  }
0x3b: {  	_ = 	snop  }
0x3c: {  	p2 =	seq.s32 s10, $0x1;
	s10 =	sld [smem:$0x3FBA]  }
0x3d: {  	_ =	shalt  }
0x3e: {  	_ =	shalt  }
0x3f: {  	_ =	shalt  }
0x40: {  	_ =	shalt  }
0x41: {  	_ =	shalt  }
0x42: {  	_ =	shalt  }
0x43: {  	_ =	shalt  }
0x44: {  	_ =	shalt  }
0x45: {  	_ =	shalt  }
0x46: {  	_ =	shalt  }
0x47: {  	_ =	shalt  }
0x48: {  	_ =	shalt  }
0x49: {  	_ =	shalt  }
0x4a: {  	_ =	shalt  }
0x4b: {  	_ =	shalt  }
0x4c: {  	_ =	shalt  }
0x4d: {  	_ =	shalt  }
0x4e: {  	_ =	shalt  }
0x4f: {  	_ =	shalt  }
0x50: {  	_ =	shalt  }
0x51: {  	_ =	shalt  }
0x52: {  	_ =	shalt  }
0x53: {  	_ =	shalt  }
0x54: {  	_ =	shalt  }
0x55: {  	_ =	shalt  }
0x56: {  	_ =	shalt  }
0x57: {  	_ =	shalt  }
0x58: {  	_ =	shalt  }
0x59: {  	_ =	shalt  }
0x5a: {  	_ =	shalt  }
0x5b: {  	_ =	shalt  }
0x5c: {  	_ =	shalt  }
0x5d: {  	_ =	shalt  }
0x5e: {  	_ =	shalt  }
0x5f: {  	_ =	shalt  }
0x60: {  	_ =	shalt  }
0x61: {  	_ =	shalt  }
0x62: {  	_ =	shalt  }
0x63: {  	_ =	shalt  }
0x64: {  	_ =	shalt  }
0x65: {  	_ =	shalt  }
0x66: {  	_ =	shalt  }
0x67: {  	_ =	shalt  }
0x68: {  	_ =	shalt  }
0x69: {  	_ =	shalt  }
0x6a: {  	_ =	shalt  }
0x6b: {  	_ =	shalt  }
0x6c: {  	_ =	shalt  }
0x6d: {  	_ =	shalt  }
0x6e: {  	_ =	shalt  }
0x6f: {  	_ =	shalt  }
0x70: {  	_ =	shalt  }
0x71: {  	_ =	shalt  }
0x72: {  	_ =	shalt  }
0x73: {  	_ =	shalt  }
0x74: {  	_ =	shalt  }
0x75: {  	_ =	shalt  }
0x76: {  	_ =	shalt  }
0x77: {  	_ =	shalt  }
0x78: {  	_ =	shalt  }
0x79: {  	_ =	shalt  }
0x7a: {  	_ =	shalt  }
0x7b: {  	_ =	shalt  }
0x7c: {  	_ =	shalt  }
0x7d: {  	_ =	shalt  }
0x7e: {  	_ =	shalt  }
0x7f: {  	_ =	shalt  }
0x80: {  	_ =	shalt  }
0x81: {  	_ =	shalt  }
0x82: {  	_ =	shalt  }
0x83: {  	_ =	shalt  }
0x84: {  	_ =	shalt  }
0x85: {  	_ =	shalt  }
0x86: {  	_ =	shalt  }
0x87: {  	_ =	shalt  }
.Lfunc_end0:
.L_simem_size_0:
called_computation_lowered:
.L_overlay_start_0:
0x88: {  	s2 =	sld [smem:$0x3FD9]  }
0x89: {  	s3 =	sld [smem:$0x3FFE];
	_ =	sdelay $0x1  }
0x8a: {  	s1 =	srdreg.scid  }
0x8b: {  	s0 =	sand.u32 $0x1, s1  }
0x8c: {  	s17 =	sshll.u32 s0, $0xA;
	s2 =	sadd.s32 s3, s2  }
0x8d: {  	s2 =	sadd.s32 s2, s17  }
0x8e: {  	[smem:$0x3FC6] =	sst s2  }
0x8f: {  	_ = 	snop  }
0x90: {  	s2 =	sld [smem:$0x3FC9]  }
0x91: {  	s18 =	sld [smem:$0x3FD0];
	(tm) =	ssettm $0x1  }
0x92: {  	s4 =	sld [smem:$0x3FFB];
	_ =	sdelay $0x3  }
0x93: {  	_ =	strace s4  }
0x94: {  	s4 =	sld [smem:$0x3FFC];
	_ =	sdelay $0x3  }
0x95: {  	_ =	strace s4  }
0x96: {  	s4 =	sld [smem:$0x3FFD];
	_ =	sdelay $0x3  }
0x97: {  	_ =	strace s4  }
0x98: {  	_ =	strace $0x8FFFFFFF  }
0x99: {  	s19 =	sld [smem:$0x3FDB];
	_ =	sdelay $0x1  }
0x9a: {  	s5 =	simm.s32 $_scs_section_size  }
0x9b: {  	s6 =	simm.s32 $_size__tile_overlayer_lowered;
	s7 =	simm.s32 $_tile_overlayer_lowered  }
0x9c: {  	s22 =	simm.s32 $0x1BFF;
	s21 =	sshll.u32 s7, $0x1;
	s4 =	sadd.s32 s5, s19  }
0x9d: {  	s8 =	simm.s32 $0x0;
	s20 =	sshll.u32 s6, $0x1;
	s6 =	sadd.s32 s21, s4  }
0x9e: {  	[timem:s8], [sflag:s22] =	dma.local [hbm:s6], s20  }
0x9f: {  	_ =	swait.ge [sflag:s22], s20  }
0xa0: {  	s5 =	ssub.s32 $0x0, s20;
	[sflag:s22] =	ssyncset.done $0x0  }
0xa1: {  	[sflag:s22] =	ssyncadd.s32 s5;
	_ =	sdelay $0x1  }
0xa2: {  	s23 =	simm.s32 $0x1B8B  }
0xa3: {  	_ =	swait.ge [sflag:s23], $0x1  }
0xa4: {  	[sflag:s23] =	ssyncset.done $0x0  }
0xa5: {  	s25 =	simm.s32 $0x1B8E;
	s24 =	sld [smem:$0x3FFE];
	[sflag:s23] =	ssyncadd.s32 $0xFFFFFFFF  }
0xa6: {  	s26 =	simm.s32 $execute0_lowered;
	[smem:$0x3FD2] =	sst s25  }
0xa7: {  	s6 =	sshll.u32 s26, $0x1;
	_ =	strace $0x80000046;
	[dreg:$0x1] =	wrdreg $0xFFFFFFFF  }
0xa8: {  	s28 =	simm.s32 $_size_execute0_lowered;
	s4 =	sadd.s32 s4, s6;
	[dreg:$0x0] =	wrdreg $0x0  }
0xa9: {  	s6 =	sshll.u32 s28, $0x1;
	[dreg:$0x2] =	wrdreg s4  }
0xaa: {  	[dreg:$0x3] =	wrdreg s6  }
0xab: {  	[dreg:$0x4] =	wrdreg $0xC0  }
0xac: {  	_ =	task [dreg:s8], $0x5FFFF  }
0xad: {  	[dreg:$0x1] =	wrdreg $0xFFFFFFFF  }
0xae: {  	[dreg:$0x0] =	wrdreg $0x60  }
0xaf: {  	[dreg:$0x2] =	wrdreg s2  }
0xb0: {  	[dreg:$0x3] =	wrdreg s24  }
0xb1: {  	[dreg:$0x4] =	wrdreg s18  }
0xb2: {  	[dreg:$0x5] =	wrdreg $0x9  }
0xb3: {  	_ =	task.clear_ibuf [dreg:s8], $0x6FFFF;
	_ =	strace $0x90000046  }
0xb4: {  	s29 =	simm.s32 $0x9;
	_ =	strace $0x80000048  }
0xb5: {  	_ =	swait.ge [sflag:s29], $0x1  }
0xb6: {  	[sflag:s29] =	ssyncadd.s32 $0xFFFFFFFF  }
0xb7: {  	_ =	strace $0x90000048  }
0xb8: {  	_ =	sfence  }
0xb9: {  	s30 =	sld [smem:$0x0];
	_ =	sdelay $0x2  }
0xba: {  	s31 =	sshll.u32 s1, $0xD;
	s1 =	sshrl.u32 s1, $0x2  }
0xbb: {  	s3 =	sand.u32 $0x4000, s31;
	s1 =	sadd.s32 s1, s30  }
0xbc: {  	s0 =	sor.u32 s3, s0;
	s1 =	sshll.u32 s1, $0x11  }
0xbd: {  	s0 =	sor.u32 s1, s0  }
0xbe: {  	s0 =	sadd.s32 $0x8F2B, s0  }
0xbf: {  	[sflag:s0] =	ssyncadd.remote.s32 $0x1  }
0xc0: {  	_ =	sfence.sel $0xFFFF  }
0xc1: {  	[dreg:$0x0] =	wrdreg $0xFFFFFFFF;
	(pc) =	sbr.abs _section_cstart, $3  }
0xc2: {  	[dreg:$0x1] =	wrdreg $0xFFFFFFFF  }
0xc3: {  	_ =	task.clear_ibuf [dreg:s8], $0x2FFFF;
	_ =	strace $0x9FFFFFFF  }
0xc4: {  	(tm) =	ssettm $0x7FFFFFFF  }
0xc5: {  	_ =	shalt  }
tec
execute0_lowered:
.L_overlay_start_1:
0x0: {  	(tag) =	ssettag $0x1  }
0x1: {  	s0 =	rddreg [dreg:$0x0]  }
0x2: {  	s1 =	rddreg [dreg:$0x1]  }
0x3: {  	s2 =	rddreg [dreg:$0x2]  }
0x4: {  	s4 =	srdreg.scid;
	s5 =	stileid.u32  }
0x5: {  	s3 =	simm.s32 $0x0;
	s9 =	simm.s32 $0x3;
	s10 =	simm.s32 $0x80  }
0x6: {  	s19 =	simm.s32 $0xC400;
	s20 =	simm.s32 $0x14400;
	s21 =	simm.s32 $0x1  }
0x7: {  	s22 =	simm.s32 $0x2;
	s23 =	simm.s32 $0x400;
	s24 =	simm.s32 $0x20000  }
0x8: {  	s25 =	simm.s32 $0x0;
	s4 =	sand.u32 $0x1, s4;
	s5 =	sshll.u32 s5, $0x1  }
0x9: {  	[smem:$0x7FF] =	sst s3;
	s6 =	sor.u32 s4, s5;
	s7 =	ssub.s32 $0x2, s4  }
0xa: {  	_ =	strace $0x80000047;
	s8 =	smul.u32 $0xC80, s6;
	s31 =	sshrl.u32 s7, $0x1  }
0xb: {  	v0 =	vlaneseq.u32;
	v1 =	vimm.s32 $0x0;
	vm0 =	vcmask $0x300;
	s4 =	sadd.s32 $0x800, s1;
	s5 =	sadd.s32 $0xC3E00, s1;
	s1 =	ssub.s32 s7, s31  }
0xc: {  	v0 =	vmul.u32 $0x40, v0;
	v1 =	vsel vm0, $0x3, v1;
	s6 =	smul.u32 $0xC8, s6;
	s7 =	sadd.s32 s0, s8;
	s8 =	smax.u32 s1, $0x1  }
.LBB2_1:
0xd: {  	[tilespmem:s3], [sflag:$0x3] =	stream.linear.gather [hbm4b:s7+s3], $0x6400, $0x38;
	[tilespmem:$0x16400] =	vst v63  }
0xe: {  	_ =	swait.ge [sflag:s9], $0x6400  }
0xf: {  	[sflag:s9] =	ssyncset.done $0x0  }
0x10: {  	s0 =	simm.s32 $0x6400;
	[sflag:s9] =	ssyncadd.s32 $0xFFFF9C00  }
0x11: {  	[tilespmem:s0], [sflag:$0x1] =	stream.indirect.gather [hbm4b:s4+s10], $0x40, s3, s10, $0xb8;
	[tilespmem:$0x16400] =	vst v63  }
0x12: {  	s18 =	simm.s32 $0xE400  }
0x13: {  	[hbm4b:s2+s3] =	stream.linear.scatter [tilespmem:s18], [sflag:$0x2], $0x2000, $0x38;
	[tilespmem:$0x16400] =	vst v63  }
0x14: {  	s26 =	simm.s32 $0x8400  }
0x15: {  	[tilespmem:s26], [sflag:$0x1] =	stream.indirect.gather [hbm4b:s4+s10], $0x40, s10, s10, $0xb8;
	[tilespmem:$0x16400] =	vst v63  }
0x16: {  	s28 =	simm.s32 $0x10400  }
0x17: {  	[hbm4b:s2+s3] =	stream.linear.scatter [tilespmem:s28], [sflag:$0x2], $0x2000, $0x38;
	[tilespmem:$0x16400] =	vst v63  }
0x18: {  	s29 =	simm.s32 $0x100;
	s1 =	simm.s32 $0xA400  }
0x19: {  	[tilespmem:s1], [sflag:$0x1] =	stream.indirect.gather [hbm4b:s4+s10], $0x40, s29, s10, $0xb8;
	[tilespmem:$0x16400] =	vst v63  }
0x1a: {  	s30 =	simm.s32 $0x12400  }
0x1b: {  	[hbm4b:s2+s3] =	stream.linear.scatter [tilespmem:s30], [sflag:$0x2], $0x2000, $0x38;
	[tilespmem:$0x16400] =	vst v63  }
0x1c: {  	s31 =	simm.s32 $0x180  }
0x1d: {  	[tilespmem:s19], [sflag:$0x1] =	stream.indirect.gather [hbm4b:s4+s10], $0x40, s31, s10, $0xb8;
	[tilespmem:$0x16400] =	vst v63  }
0x1e: {  	s26 =	simm.s32 $0x0  }
0x1f: {  	[hbm4b:s2+s3] =	stream.linear.scatter [tilespmem:s20], [sflag:$0x2], $0x2000, $0x38;
	[tilespmem:$0x16400] =	vst v63  }
.LBB2_2:
0x20: {  	s0 =	simm.s32 $0x0;
	s11 =	simm.s32 $0x0  }
0x21: {  	s12 =	simm.s32 $0x8;
	s13 =	sshll.u32 s26, $0xD;
	s14 =	simm.s32 $0x2  }
0x22: {  	s0 =	sand.u32 $0x38, s0;
	s1 =	sand.u32 $0x70, s11;
	s12 =	sand.u32 $0x38, s12  }
0x23: {  	s29 =	sand.u32 $0x6000, s13;
	s13 =	sand.u32 $0x70, s14;
	v2 =	vmov s0;
	v3 =	vmov s1;
	v11 =	vmov s12  }
0x24: {  	v12 =	vmov s13;
	v2 =	vshrl.u32 v2, $0x3;
	v3 =	vshll.u32 v3, $0x6  }
0x25: {  	v11 =	vshrl.u32 v11, $0x3;
	v12 =	vshll.u32 v12, $0x6;
	v2 =	vshll.u32 v2, v1  }
0x26: {  	v3 =	vor.u32 v0, v3;
	v11 =	vshll.u32 v11, v1;
	v5 =	vor.u32 $0x7, v2  }
0x27: {  	v12 =	vor.u32 v0, v12;
	v4 =	vor.u32 $0x1, v2;
	v5 =	vbroadcast v5, $0x0  }
0x28: {  	_ =	swait.ge [sflag:s21], $0x2000;
	v6 =	vor.u32 $0x2, v2;
	v7 =	vor.u32 $0x3, v2;
	v4 =	vbroadcast v4, $0x0  }
0x29: {  	[sflag:s21] =	ssyncset.done $0x0;
	v8 =	vor.u32 $0x4, v2;
	v6 =	vbroadcast v6, $0x0;
	v5 =	vor.u32 v3, v5  }
0x2a: {  	[sflag:s21] =	ssyncadd.s32 $0xFFFFE000;
	v9 =	vor.u32 $0x5, v2;
	v7 =	vbroadcast v7, $0x0;
	v4 =	vor.u32 v3, v4  }
0x2b: {  	_ =	swait.ge [sflag:s22], $0x2000;
	v10 =	vor.u32 $0x6, v2;
	v8 =	vbroadcast v8, $0x0;
	v6 =	vor.u32 v3, v6  }
0x2c: {  	[sflag:s22] =	ssyncset.done $0x0;
	v2 =	vbroadcast v2, $0x0;
	v9 =	vbroadcast v9, $0x0;
	v7 =	vor.u32 v3, v7  }
0x2d: {  	s28 =	sadd.s32 $0x6400, s29;
	[sflag:s22] =	ssyncadd.s32 $0xFFFFE000;
	v13 =	vor.u32 $0x7, v11;
	v10 =	vbroadcast v10, $0x0;
	v8 =	vor.u32 v3, v8  }
0x2e: {  	v14 =	vor.u32 $0x1, v11;
	v13 =	vbroadcast v13, $0x0;
	v9 =	vor.u32 v3, v9;
	v5 =	vld.idx.msk [tilespmem:v5+s28+$0x0], $0xffff  }
0x2f: {  	v15 =	vor.u32 $0x2, v11;
	v16 =	vor.u32 $0x3, v11;
	v10 =	vor.u32 v3, v10;
	v4 =	vld.idx.msk [tilespmem:v4+s28+$0x0], $0xffff  }
0x30: {  	v17 =	vor.u32 $0x4, v11;
	v18 =	vor.u32 $0x5, v11;
	v13 =	vor.u32 v12, v13;
	v6 =	vld.idx.msk [tilespmem:v6+s28+$0x0], $0xffff  }
0x31: {  	s11 =	sand.u32 $0x1C00, s11;
	s29 =	sadd.s32 $0xE400, s29;
	v14 =	vbroadcast v14, $0x0;
	v15 =	vbroadcast v15, $0x0;
	v2 =	vor.u32 v2, v3;
	v7 =	vld.idx.msk [tilespmem:v7+s28+$0x0], $0xffff  }
0x32: {  	s31 =	simm.s32 $0x10;
	s11 =	sadd.s32 s11, s29;
	v19 =	vor.u32 $0x6, v11;
	v3 =	vbroadcast v16, $0x0;
	v16 =	vbroadcast v17, $0x0;
	v8 =	vld.idx.msk [tilespmem:v8+s28+$0x0], $0xffff  }
0x33: {  	s15 =	sand.u32 $0x38, s31;
	s18 =	sadd.s32 s1, s11;
	v17 =	vld.idx.msk [tilespmem:v9+s28+$0x0], $0xffff;
	v9 =	vor.u32 v12, v14;
	v14 =	vbroadcast v18, $0x0;
	v18 =	vbroadcast v19, $0x0  }
0x34: {  	s11 =	simm.s32 $0x4;
	v10 =	vld.idx.msk [tilespmem:v10+s28+$0x0], $0xffff;
	v19 =	vbroadcast v11, $0x0;
	v11 =	vor.u32 v12, v15;
	[tilespmem:s18+$0x380] =	vst v5;
	v5 =	vmov s15  }
0x35: {  	s30 =	sand.u32 $0x70, s11;
	v20 =	vor.u32 v12, v3;
	v21 =	vor.u32 v12, v16;
	v22 =	vld.idx.msk [tilespmem:v13+s28+$0x0], $0xffff;
	[tilespmem:s18+$0x80] =	vst v4;
	v4 =	vshrl.u32 v5, $0x3  }
0x36: {  	[tilespmem:s18+$0x100] =	vst v6;
	v6 =	vld.idx.msk [tilespmem:v2+s28+$0x0], $0xffff;
	v2 =	vmov s30;
	v5 =	vor.u32 v12, v14;
	v3 =	vshll.u32 v4, v1  }
0x37: {  	s16 =	sshll.u32 s0, $0x7;
	s0 =	simm.s32 $0x400;
	[tilespmem:s18+$0x180] =	vst v7;
	v2 =	vshll.u32 v2, $0x6;
	v4 =	vor.u32 v12, v18;
	v13 =	vor.u32 $0x7, v3  }
0x38: {  	s12 =	sshll.u32 s12, $0x7;
	s17 =	sand.u32 $0x1C00, s0;
	v7 =	vld.idx.msk [tilespmem:v9+s28+$0x0], $0xffff;
	[tilespmem:s18+$0x200] =	vst v8;
	v2 =	vor.u32 v0, v2;
	v12 =	vor.u32 v19, v12;
	v24 =	vbroadcast v13, $0x0  }
0x39: {  	s16 =	sadd.s32 s16, s29;
	s17 =	sadd.s32 s17, s29;
	s15 =	sshll.u32 s15, $0x7;
	v9 =	vld.idx.msk [tilespmem:v11+s28+$0x0], $0xffff;
	[tilespmem:s18+$0x280] =	vst v17;
	v18 =	vor.u32 $0x1, v3;
	v23 =	vor.u32 $0x2, v3;
	v16 =	vor.u32 $0x3, v3  }
0x3a: {  	[tilespmem:s18+$0x300] =	vst v10;
	s18 =	sadd.s32 s12, s29;
	s12 =	sadd.s32 s13, s17;
	v8 =	vld.idx.msk [tilespmem:v20+s28+$0x0], $0xffff;
	s15 =	sadd.s32 s15, s29;
	v15 =	vor.u32 $0x4, v3;
	v14 =	vor.u32 $0x5, v3;
	v11 =	vor.u32 v2, v24  }
0x3b: {  	s14 =	sadd.s32 s1, s16;
	v10 =	vld.idx.msk [tilespmem:v21+s28+$0x0], $0xffff;
	s1 =	sadd.s32 s13, s18;
	[tilespmem:s12+$0x380] =	vst v22;
	s13 =	sadd.s32 s30, s15;
	v13 =	vor.u32 $0x6, v3;
	v18 =	vbroadcast v18, $0x0;
	v17 =	vbroadcast v23, $0x0  }
.LBB2_3:
0x3c: {  	s31 =	sadd.s32 $0x8, s31;
	v16 =	vbroadcast v16, $0x0;
	v15 =	vbroadcast v15, $0x0;
	v19 =	vld.idx.msk [tilespmem:v5+s28+$0x0], $0xffff;
	[tilespmem:s14+$0x0] =	vst v6;
	s14 =	smov.u32 s1;
	s1 =	smov.u32 s13  }
0x3d: {  	v5 =	vbroadcast v14, $0x0;
	v6 =	vbroadcast v13, $0x0;
	s13 =	sand.u32 $0x38, s31;
	p0 =	slt.u32 s31, $0x1F8;
	v18 =	vor.u32 v2, v18;
	v20 =	vld.idx.msk [tilespmem:v4+s28+$0x0], $0xffff  }
0x3e: {  	v21 =	vbroadcast v3, $0x0;
	v13 =	vor.u32 v2, v17;
	v4 =	vmov s13;
	s13 =	sshll.u32 s13, $0x7;
	[tilespmem:s12+$0x80] =	vst v7  }
0x3f: {  	s11 =	sadd.s32 $0x2, s11;
	v17 =	vor.u32 v2, v16;
	v22 =	vor.u32 v2, v15;
	v3 =	vshrl.u32 v4, $0x3;
	s13 =	sadd.s32 s13, s29;
	v23 =	vld.idx.msk [tilespmem:v11+s28+$0x0], $0xffff;
	[tilespmem:s12+$0x100] =	vst v9  }
0x40: {  	s15 =	sand.u32 $0x70, s11;
	v5 =	vor.u32 v2, v5;
	v4 =	vor.u32 v2, v6;
	v3 =	vshll.u32 v3, v1;
	v6 =	vld.idx.msk [tilespmem:v12+s28+$0x0], $0xffff  }
.Ltmp0:
0x41: {  	s0 =	sadd.s32 $0x400, s0;
	v7 =	vmov s15;
	s13 =	sadd.s32 s15, s13;
	v12 =	vor.u32 $0x1, v3;
	v9 =	vor.u32 $0x7, v3;
	[tilespmem:s12+$0x180] =	vst v8;
	(pc) =	sbr.rel @p0 .LBB2_3-.Ltmp0, $4  }
0x42: {  	s16 =	sand.u32 $0x1C00, s0;
	v8 =	vshll.u32 v7, $0x6;
	v24 =	vor.u32 $0x2, v3;
	v11 =	vbroadcast v9, $0x0;
	v7 =	vld.idx.msk [tilespmem:v18+s28+$0x0], $0xffff;
	[tilespmem:s12+$0x200] =	vst v10  }
0x43: {  	s16 =	sadd.s32 s16, s29;
	v16 =	vor.u32 $0x3, v3;
	v15 =	vor.u32 $0x4, v3;
	v25 =	vor.u32 v0, v8;
	v9 =	vld.idx.msk [tilespmem:v13+s28+$0x0], $0xffff;
	[tilespmem:s12+$0x280] =	vst v19  }
0x44: {  	v14 =	vor.u32 $0x5, v3;
	v13 =	vor.u32 $0x6, v3;
	v11 =	vor.u32 v25, v11;
	v8 =	vld.idx.msk [tilespmem:v17+s28+$0x0], $0xffff;
	[tilespmem:s12+$0x300] =	vst v20;
	s12 =	sadd.s32 s30, s16;
	s30 =	smov.u32 s15  }
0x45: {  	v18 =	vbroadcast v12, $0x0;
	v12 =	vor.u32 v21, v2;
	v2 =	vmovc v25;
	v17 =	vbroadcast v24, $0x0;
	v10 =	vld.idx.msk [tilespmem:v22+s28+$0x0], $0xffff;
	[tilespmem:s12+$0x380] =	vst v23  }
0x46: {  	_ =	sdelay $0x2  }
0x47: {  	v16 =	vbroadcast v16, $0x0;
	v18 =	vor.u32 v2, v18  }
0x48: {  	v15 =	vbroadcast v15, $0x0;
	v5 =	vld.idx.msk [tilespmem:v5+s28+$0x0], $0xffff;
	[tilespmem:s14+$0x0] =	vst v6;
	v56 =	vor.u32 v2, v17  }
0x49: {  	v14 =	vbroadcast v14, $0x0;
	v4 =	vld.idx.msk [tilespmem:v4+s28+$0x0], $0xffff;
	[tilespmem:s12+$0x80] =	vst v7;
	v57 =	vor.u32 v2, v16  }
0x4a: {  	v13 =	vbroadcast v13, $0x0;
	v11 =	vld.idx.msk [tilespmem:v11+s28+$0x0], $0xffff;
	v15 =	vor.u32 v2, v15;
	[tilespmem:s12+$0x100] =	vst v9  }
0x4b: {  	v3 =	vbroadcast v3, $0x0;
	v12 =	vld.idx.msk [tilespmem:v12+s28+$0x0], $0xffff;
	s0 =	sadd.s32 $0x400, s0;
	v58 =	vor.u32 v2, v14;
	[tilespmem:s12+$0x180] =	vst v8  }
0x4c: {  	s0 =	sand.u32 $0x1C00, s0;
	v59 =	vor.u32 v2, v13;
	[tilespmem:s12+$0x200] =	vst v10;
	v60 =	vld.idx.msk [tilespmem:v18+s28+$0x0], $0xffff  }
0x4d: {  	s0 =	sadd.s32 s0, s29;
	v2 =	vor.u32 v3, v2;
	[tilespmem:s12+$0x280] =	vst v5;
	v6 =	vld.idx.msk [tilespmem:v56+s28+$0x0], $0xffff  }
0x4e: {  	s0 =	sadd.s32 s30, s0;
	[tilespmem:s12+$0x300] =	vst v4;
	v3 =	vld.idx.msk [tilespmem:v57+s28+$0x0], $0xffff  }
0x4f: {  	[tilespmem:s0+$0x380] =	vst v11;
	v61 =	vld.idx.msk [tilespmem:v15+s28+$0x0], $0xffff  }
0x50: {  	[tilespmem:s1+$0x0] =	vst v12;
	v62 =	vld.idx.msk [tilespmem:v58+s28+$0x0], $0xffff  }
0x51: {  	s16 =	sadd.s32 s6, s26;
	v63 =	vld.idx.msk [tilespmem:v59+s28+$0x0], $0xffff;
	[tilespmem:s0+$0x80] =	vst v60  }
0x52: {  	s11 =	sshll.u32 s16, $0x7;
	v2 =	vld.idx.msk [tilespmem:v2+s28+$0x0], $0xffff;
	[tilespmem:s0+$0x100] =	vst v6  }
0x53: {  	s11 =	sand.u32 $0x3F80, s11;
	[tilespmem:s0+$0x180] =	vst v3  }
0x54: {  	p0 =	slt.s32 s26, $0xC3;
	s18 =	sadd.s32 s5, s11;
	s30 =	sadd.s32 $0x1, s26;
	[tilespmem:s0+$0x200] =	vst v61  }
0x55: {  	s26 =	simm.s32 @!p0 $0xC3;
	p0 =	sne.s32 s30, $0xC8;
	s1 =	sshll.u32 s16, $0xA;
	[tilespmem:s0+$0x280] =	vst v62  }
.Ltmp1:
0x56: {  	s31 =	sshll.u32 s26, $0x7;
	s17 =	sand.u32 $0xFFE0000, s1;
	[tilespmem:s0+$0x300] =	vst v63;
	(pc) =	sbr.rel @p0 .LBB2_2-.Ltmp1, $4  }
0x57: {  	s1 =	sand.u32 $0x3FFFFF80, s31;
	[tilespmem:s13+$0x0] =	vst v2;
	s0 =	sadd.s32 s17, s18  }
0x58: {  	[hbm4b:s0+s23] =	stream.strided.scatter [tilespmem:s29], [sflag:$0x2], $0x2000, s24, s23, $0x38;
	[tilespmem:$0x16400] =	vst v63  }
0x59: {  	s26 =	smov.u32 s30;
	s1 =	sadd.s32 $0x200, s1  }
0x5a: {  	[tilespmem:s28], [sflag:$0x1] =	stream.indirect.gather [hbm4b:s4+s10], $0x40, s1, s10, $0xb8;
	[tilespmem:$0x16400] =	vst v63  }
0x5b: {  	_ =	swait.ge [sflag:s21], $0x2000  }
0x5c: {  	[sflag:s21] =	ssyncset.done $0x0  }
0x5d: {  	[sflag:s21] =	ssyncadd.s32 $0xFFFFE000  }
0x5e: {  	_ =	swait.ge [sflag:s22], $0x2000  }
0x5f: {  	[sflag:s22] =	ssyncset.done $0x0  }
0x60: {  	[sflag:s22] =	ssyncadd.s32 $0xFFFFE000  }
0x61: {  	_ =	swait.ge [sflag:s21], $0x2000  }
0x62: {  	[sflag:s21] =	ssyncset.done $0x0  }
0x63: {  	[sflag:s21] =	ssyncadd.s32 $0xFFFFE000  }
0x64: {  	_ =	swait.ge [sflag:s22], $0x2000  }
0x65: {  	[sflag:s22] =	ssyncset.done $0x0  }
0x66: {  	[sflag:s22] =	ssyncadd.s32 $0xFFFFE000  }
0x67: {  	_ =	swait.ge [sflag:s21], $0x2000  }
0x68: {  	[sflag:s21] =	ssyncset.done $0x0  }
0x69: {  	[sflag:s21] =	ssyncadd.s32 $0xFFFFE000  }
0x6a: {  	_ =	swait.ge [sflag:s22], $0x2000  }
0x6b: {  	[sflag:s22] =	ssyncset.done $0x0  }
0x6c: {  	s25 =	sadd.s32 $0x1, s25;
	[sflag:s22] =	ssyncadd.s32 $0xFFFFE000  }
0x6d: {  	p0 =	sne.s32 s25, s8;
	_ =	swait.ge [sflag:s21], $0x2000  }
.Ltmp2:
0x6e: {  	[sflag:s21] =	ssyncset.done $0x0;
	(pc) =	sbr.rel @p0 .LBB2_1-.Ltmp2, $4  }
0x6f: {  	[sflag:s21] =	ssyncadd.s32 $0xFFFFE000  }
0x70: {  	_ =	swait.ge [sflag:s22], $0x2000  }
0x71: {  	[sflag:s22] =	ssyncset.done $0x0  }
0x72: {  	[sflag:s22] =	ssyncadd.s32 $0xFFFFE000  }
0x73: {  	_ =	sfence.sel $0x180000  }
0x74: {  	[bflag:$0x0] =	sbarrier.arrive $0xFFFF  }
0x75: {  	_ =	strace $0x90000047  }
0x76: {  	s0 =	stileid.u32;
	[bflag:$0x2] =	sbarrier.arrive $0xFFFF  }
0x77: {  	p0 =	sne.s32 s0, $0x0;
	s0 =	rddreg [dreg:$0x3]  }
0x78: {  	s0 =	sadd.s32 @!p0 $0x100000, s0  }
0x79: {  	[sflag:s0] =	ssyncadd.tile.s32 @!p0 $0x1;
	_ =	shalt  }
.Lfunc_end2:
_tile_overlayer_lowered:
.L_overlay_start_2:
0x7a: {  	(tag) =	ssettag $0x2  }
0x7b: {  	s0 =	rddreg [dreg:$0x0];
	s2 =	stileid.u32  }
0x7c: {  	s1 =	rddreg [dreg:$0x1];
	p0 =	sne.s32 s2, $0x0  }
0x7d: {  	s3 =	rddreg [dreg:$0x2];
	[bflag:$0x3] =	sbarrier.arrive $0xFFFF;
	s2 =	simm.s32 @!p0 $0x1C03  }
0x7e: {  	[timem:s3], [sflag:s2] =	dma.local @!p0 [hbm:s0], s1  }
0x7f: {  	s0 =	simm.s32 @!p0 $0x3  }
0x80: {  	_ =	swait.ge @!p0 [sflag:s0], s1  }
0x81: {  	s1 =	ssub.s32 @!p0 $0x0, s1;
	[sflag:s0] =	ssyncset.done @!p0 $0x0  }
0x82: {  	[sflag:s0] =	ssyncadd.s32 @!p0 s1  }
0x83: {  	[bflag:$0x3] =	sbarrier.arrive $0xFFFF  }
0x84: {  	_ =	shalt  }

</sc_bundles>
